<compile_context>
chip_gen: v7x
topology: tpu7x:2x2x1
jax: 0.10.2.dev20260603
libtpu: 0.0.44.dev20260713+nightly
codegen_flags: <defaults>
</compile_context>

<pallas_src>
import functools

import jax
import jax.numpy as jnp
from jax import lax
from jax.experimental import pallas as pl
from jax.experimental.pallas import tpu as pltpu
from jax.experimental.pallas import tpu_sc as plsc

N = 10000
D = 256
DH = 128
E = 160000
NPAD = 10240
DUMMY = N
NSUB = 16
NCORE = 2
NW = NCORE * NSUB
K = 128
NCH = 84
EPAD = NSUB * NCH * K
NB = 8
ROWS_PER_TILE = NPAD // NSUB

_mesh = plsc.VectorSubcoreMesh(core_axis_name="c", subcore_axis_name="s")


@functools.partial(
    pl.kernel,
    out_type=jax.ShapeDtypeStruct((NW, NPAD), jnp.float32),
    mesh=_mesh,
    compiler_params=pltpu.CompilerParams(needs_layout_passes=False),
    scratch_types=[
        pltpu.VMEM((NCH, K), jnp.int32),
        pltpu.VMEM((NPAD,), jnp.float32),
    ],
)
def _deg(edges_hbm, out_hbm, dstv, ldeg):
    c = lax.axis_index("c")
    s = lax.axis_index("s")
    pltpu.sync_copy(edges_hbm.at[1].at[s], dstv)
    zero16 = jnp.zeros((16,), jnp.float32)
    ones16 = jnp.ones((16,), jnp.float32)

    def zbody(i, _):
        ldeg[pl.ds(i * 16, 16)] = zero16
        return 0

    lax.fori_loop(0, NPAD // 16, zbody, 0)

    half = NCH // 2

    def ebody(j, _):
        jj = c * half + j
        for q in range(K // 16):
            idx = dstv[jj, pl.ds(q * 16, 16)]
            plsc.addupdate_scatter(ldeg, [idx], ones16)
        return 0

    lax.fori_loop(0, half, ebody, 0)
    pltpu.sync_copy(ldeg, out_hbm.at[s * NCORE + c])


_HSD = jax.ShapeDtypeStruct((NPAD, DH), jnp.bfloat16)


@functools.partial(
    pl.kernel,
    out_type=(_HSD, _HSD),
    mesh=_mesh,
    compiler_params=pltpu.CompilerParams(
        needs_layout_passes=False, use_tc_tiling_on_sc=False
    ),
    scratch_types=[
        pltpu.VMEM((NCH, K), jnp.int32),
        pltpu.VMEM((NCH, K), jnp.int32),
        pltpu.VMEM((NB, K, DH), jnp.bfloat16),
        pltpu.VMEM_SHARED((NPAD, DH), jnp.bfloat16),
        pltpu.SemaphoreType.DMA((NB,)),
        pltpu.SemaphoreType.DMA((NB,)),
    ],
)
def _prop(edges_hbm, g0, g1, o0, o1, srcv, dstv, bufs, accum, gsem, ssem):
    c = lax.axis_index("c")
    s = lax.axis_index("s")
    pltpu.sync_copy(edges_hbm.at[0].at[s], srcv)
    pltpu.sync_copy(edges_hbm.at[1].at[s], dstv)

    zero32 = jnp.zeros((32,), jnp.bfloat16)

    def zb(i, _):
        for q in range(DH // 32):
            bufs[0, i, pl.ds(q * 32, 32)] = zero32
        return 0

    lax.fori_loop(0, K, zb, 0)
    for t in range(ROWS_PER_TILE // K):
        pltpu.sync_copy(
            bufs.at[0], accum.at[pl.ds(s * ROWS_PER_TILE + t * K, K)]
        )
    plsc.subcore_barrier()

    def gissue(j, b):
        @pl.when(c == 0)
        def _():
            pltpu.async_copy(g0.at[srcv.at[j]], bufs.at[b], gsem.at[b])

        @pl.when(c == 1)
        def _():
            pltpu.async_copy(g1.at[srcv.at[j]], bufs.at[b], gsem.at[b])

    for j in range(NB):
        gissue(j, j)

    def mb(j, _):
        b = lax.rem(j, NB)
        pltpu.make_async_copy(
            g0.at[pl.ds(0, K)], bufs.at[b], gsem.at[b]
        ).wait()
        pltpu.async_copy(
            bufs.at[b], accum.at[dstv.at[j]], ssem.at[b], add=True
        )
        jn = j + NB

        @pl.when(jn < NCH)
        def _():
            pltpu.make_async_copy(
                g0.at[pl.ds(0, K)], bufs.at[b], ssem.at[b]
            ).wait()
            gissue(jn, b)

        return 0

    lax.fori_loop(0, NCH, mb, 0)
    for b in range(NB):
        pltpu.make_async_copy(
            g0.at[pl.ds(0, K)], bufs.at[b], ssem.at[b]
        ).wait()
    plsc.subcore_barrier()
    rows = pl.ds(s * ROWS_PER_TILE, ROWS_PER_TILE)

    @pl.when(c == 0)
    def _():
        pltpu.sync_copy(accum.at[rows], o0.at[rows])

    @pl.when(c == 1)
    def _():
        pltpu.sync_copy(accum.at[rows], o1.at[rows])


RB = 1024


def _mm_body(deg_ref, x_ref, w_ref, g0_ref, g1_ref):
    deg = jnp.sum(deg_ref[...], axis=0)
    dinv = lax.rsqrt(deg)
    h = jnp.dot(x_ref[...], w_ref[...], preferred_element_type=jnp.float32)
    g = (h * dinv[:, None]).astype(jnp.bfloat16)
    g0_ref[...] = g[:, 0:DH]
    g1_ref[...] = g[:, DH:D]


def _mm(deg, x, w):
    nb = NPAD // RB
    hspec = pl.BlockSpec((RB, DH), lambda i: (i, 0))
    return pl.pallas_call(
        _mm_body,
        grid=(nb,),
        in_specs=[
            pl.BlockSpec((NW, RB), lambda i: (0, i)),
            pl.BlockSpec((RB, D), lambda i: (i, 0)),
            pl.BlockSpec((D, D), lambda i: (0, 0)),
        ],
        out_specs=(hspec, hspec),
        out_shape=(_HSD, _HSD),
    )(deg, x, w)


def _fin_body(h0_ref, h1_ref, deg_ref, b_ref, o_ref):
    deg = jnp.sum(deg_ref[...], axis=0)
    dinv = lax.rsqrt(deg)
    merged = jnp.concatenate(
        [h0_ref[...], h1_ref[...]], axis=1
    ).astype(jnp.float32)
    o_ref[...] = merged * dinv[:, None] + b_ref[...][None, :]


def _fin(s0, s1, deg, b):
    nb = NPAD // RB
    hspec = pl.BlockSpec((RB, DH), lambda i: (i, 0))
    return pl.pallas_call(
        _fin_body,
        grid=(nb,),
        in_specs=[
            hspec,
            hspec,
            pl.BlockSpec((NW, RB), lambda i: (0, i)),
            pl.BlockSpec((D,), lambda i: (0,)),
        ],
        out_specs=pl.BlockSpec((RB, D), lambda i: (i, 0)),
        out_shape=jax.ShapeDtypeStruct((N, D), jnp.float32),
    )(s0, s1, deg, b)


def kernel(x, edge_index, W, b):
    loop = jnp.arange(N, dtype=jnp.int32)
    npad_e = EPAD - E - N
    extra = jnp.stack([
        jnp.concatenate([loop, jnp.zeros((npad_e,), jnp.int32)]),
        jnp.concatenate([loop, jnp.full((npad_e,), DUMMY, jnp.int32)]),
    ])
    edges_p = jnp.concatenate(
        [edge_index.astype(jnp.int32), extra], axis=1
    ).reshape(2, NSUB, NCH, K)

    deg = _deg(edges_p)
    g0, g1 = _mm(deg, x, W)
    s0, s1 = _prop(edges_p, g0, g1)
    return _fin(s0, s1, deg, b)

# --- scband reference (transcript-rebuilt; emitter-appended) ---
"""Pipeline reference for scband-custom-net-70549132804606 (READ-ONLY COPY).

The authoritative reference and input builder live on the scoring server;
editing this copy changes nothing except your own understanding.
"""

import jax, jax.numpy as jnp
import numpy as np

N_NODES = 10000
N_EDGES = 160000
D_IN = 256
D_OUT = 256


def setup_inputs(seed: int = 0) -> dict:
    key = jax.random.key(seed)
    k1, k2, k3 = jax.random.split(key, 3)
    x = jax.random.normal(k1, (N_NODES, D_IN), dtype=jnp.float32)
    edge_index = jax.random.randint(k2, (2, N_EDGES), 0, N_NODES, dtype=jnp.int64)
    # GCNConv parameters: lin weight (no bias inside lin) + output bias
    W = jax.random.normal(k3, (D_IN, D_OUT), dtype=jnp.float32) * 0.05
    b = jnp.zeros((D_OUT,), dtype=jnp.float32)
    return {"x": x, "edge_index": edge_index, "W": W, "b": b}


def reference(x, edge_index, W, b):
    # CustomNet with layer_type='GCN', ds_dim=0, dropout=0:
    # forward reduces to a single GCNConv(in_dim=256, out_dim=256)
    # with default settings: add_self_loops=True, normalize=True, bias=True.
    N = x.shape[0]
    src = edge_index[0]
    dst = edge_index[1]
    # add self-loops
    loop = jnp.arange(N, dtype=src.dtype)
    src = jnp.concatenate([src, loop])
    dst = jnp.concatenate([dst, loop])
    ew = jnp.ones(src.shape[0], dtype=x.dtype)
    # symmetric normalization (gcn_norm): deg computed on destination index
    deg = jnp.zeros((N,), dtype=x.dtype).at[dst].add(ew)
    dinv = jnp.where(deg > 0, jax.lax.rsqrt(deg), 0.0)
    norm = dinv[src] * ew * dinv[dst]
    # linear transform, then propagate (gather from src, scatter-add to dst)
    h = x @ W
    msg = h[src] * norm[:, None]
    out = jnp.zeros((N, h.shape[1]), dtype=h.dtype).at[dst].add(msg)
    return out + b

if __name__ == "__main__":
    import jax
    _d = setup_inputs()
    print(jax.jit(kernel)(*tuple(_d.values())))

</pallas_src>

<mosaic_0001>
#map = affine_map<(d0, d1) -> (0, 0, 0, 0)>
#map1 = affine_map<(d0, d1) -> (0, 0)>
module attributes {stable_mosaic.version = 14 : i64} {
  func.func @_deg(%arg0: i32, %arg1: i32, %arg2: memref<2x16x84x128xi32, #tpu.memory_space<hbm>>, %arg3: memref<32x10240xf32, #tpu.memory_space<hbm>>, %arg4: memref<84x128xi32, #tpu.memory_space<vmem>>, %arg5: memref<10240xf32, #tpu.memory_space<vmem>>) attributes {dimension_semantics = [#tpu.dimension_semantics<core_parallel>, #tpu.dimension_semantics<subcore_parallel>], iteration_bounds = array<i64: 2, 16>, scalar_prefetch = 0 : i64, scratch_operands = 2 : i64, tpu.core_type = #tpu.core_type<sc_vector_subcore>, window_params = [{transform_indices = #map}, {transform_indices = #map1}]} {
    %run_scoped3A = arith.constant 1 : i32
    "tpu.region"() ({
      %run_scoped3A_17 = tpu.sem_alloc : memref<!tpu.dma_semaphore, #tpu.memory_space<semaphore_mem>>
      %dma_start3A = arith.constant 0 : i32
      %dma_start3A_18 = arith.constant 0 : i32
      %dma_start3A_19 = arith.constant 0 : i32
      %dma_start3A_20 = tpu.memref_slice %arg2[%run_scoped3A, %dma_start3A, %dma_start3A_18, %dma_start3A_19] : memref<2x16x84x128xi32, #tpu.memory_space<hbm>> -> memref<1x16x84x128xi32, #tpu.memory_space<hbm>>
      %dma_start3A_21 = tpu.memref_squeeze %dma_start3A_20 : memref<1x16x84x128xi32, #tpu.memory_space<hbm>> -> memref<16x84x128xi32, #tpu.memory_space<hbm>>
      %dma_start3A_22 = arith.constant 0 : i32
      %dma_start3A_23 = arith.constant 0 : i32
      %dma_start3A_24 = tpu.memref_slice %dma_start3A_21[%arg1, %dma_start3A_22, %dma_start3A_23] : memref<16x84x128xi32, #tpu.memory_space<hbm>> -> memref<1x84x128xi32, #tpu.memory_space<hbm>>
      %dma_start3A_25 = tpu.memref_squeeze %dma_start3A_24 : memref<1x84x128xi32, #tpu.memory_space<hbm>> -> memref<84x128xi32, #tpu.memory_space<hbm>>
      %dma_start3A_26 = arith.constant 0 : i32
      %dma_start3A_27 = arith.constant 0 : i32
      %dma_start3A_28 = arith.constant 0 : i32
      %dma_start3A_29 = tpu.memref_slice %arg2[%run_scoped3A, %dma_start3A_26, %dma_start3A_27, %dma_start3A_28] : memref<2x16x84x128xi32, #tpu.memory_space<hbm>> -> memref<1x16x84x128xi32, #tpu.memory_space<hbm>>
      %dma_start3A_30 = tpu.memref_squeeze %dma_start3A_29 : memref<1x16x84x128xi32, #tpu.memory_space<hbm>> -> memref<16x84x128xi32, #tpu.memory_space<hbm>>
      %dma_start3A_31 = arith.constant 0 : i32
      %dma_start3A_32 = arith.constant 0 : i32
      %dma_start3A_33 = tpu.memref_slice %dma_start3A_30[%arg1, %dma_start3A_31, %dma_start3A_32] : memref<16x84x128xi32, #tpu.memory_space<hbm>> -> memref<1x84x128xi32, #tpu.memory_space<hbm>>
      %dma_start3A_34 = tpu.memref_squeeze %dma_start3A_33 : memref<1x84x128xi32, #tpu.memory_space<hbm>> -> memref<84x128xi32, #tpu.memory_space<hbm>>
      tpu.enqueue_dma source(%dma_start3A_34 : memref<84x128xi32, #tpu.memory_space<hbm>>) target(%arg4 : memref<84x128xi32, #tpu.memory_space<vmem>>) target_semaphore(%run_scoped3A_17 : memref<!tpu.dma_semaphore, #tpu.memory_space<semaphore_mem>>)
      %dma_wait3A = arith.constant 0 : i32
      %dma_wait3A_35 = arith.constant 0 : i32
      %dma_wait3A_36 = arith.constant 0 : i32
      %dma_wait3A_37 = tpu.memref_slice %arg2[%run_scoped3A, %dma_wait3A, %dma_wait3A_35, %dma_wait3A_36] : memref<2x16x84x128xi32, #tpu.memory_space<hbm>> -> memref<1x16x84x128xi32, #tpu.memory_space<hbm>>
      %dma_wait3A_38 = tpu.memref_squeeze %dma_wait3A_37 : memref<1x16x84x128xi32, #tpu.memory_space<hbm>> -> memref<16x84x128xi32, #tpu.memory_space<hbm>>
      %dma_wait3A_39 = arith.constant 0 : i32
      %dma_wait3A_40 = arith.constant 0 : i32
      %dma_wait3A_41 = tpu.memref_slice %dma_wait3A_38[%arg1, %dma_wait3A_39, %dma_wait3A_40] : memref<16x84x128xi32, #tpu.memory_space<hbm>> -> memref<1x84x128xi32, #tpu.memory_space<hbm>>
      %dma_wait3A_42 = tpu.memref_squeeze %dma_wait3A_41 : memref<1x84x128xi32, #tpu.memory_space<hbm>> -> memref<84x128xi32, #tpu.memory_space<hbm>>
      %dma_wait3A_43 = arith.constant 0 : i32
      %dma_wait3A_44 = arith.constant 0 : i32
      %dma_wait3A_45 = arith.constant 0 : i32
      %dma_wait3A_46 = tpu.memref_slice %arg2[%run_scoped3A, %dma_wait3A_43, %dma_wait3A_44, %dma_wait3A_45] : memref<2x16x84x128xi32, #tpu.memory_space<hbm>> -> memref<1x16x84x128xi32, #tpu.memory_space<hbm>>
      %dma_wait3A_47 = tpu.memref_squeeze %dma_wait3A_46 : memref<1x16x84x128xi32, #tpu.memory_space<hbm>> -> memref<16x84x128xi32, #tpu.memory_space<hbm>>
      %dma_wait3A_48 = arith.constant 0 : i32
      %dma_wait3A_49 = arith.constant 0 : i32
      %dma_wait3A_50 = tpu.memref_slice %dma_wait3A_47[%arg1, %dma_wait3A_48, %dma_wait3A_49] : memref<16x84x128xi32, #tpu.memory_space<hbm>> -> memref<1x84x128xi32, #tpu.memory_space<hbm>>
      %dma_wait3A_51 = tpu.memref_squeeze %dma_wait3A_50 : memref<1x84x128xi32, #tpu.memory_space<hbm>> -> memref<84x128xi32, #tpu.memory_space<hbm>>
      tpu.wait_dma2 semaphore(%run_scoped3A_17 : memref<!tpu.dma_semaphore, #tpu.memory_space<semaphore_mem>>) src(%dma_wait3A_51 : memref<84x128xi32, #tpu.memory_space<hbm>>) dst(%arg4 : memref<84x128xi32, #tpu.memory_space<vmem>>)
      tpu.yield
    }) : () -> ()
    %broadcast_in_dim3A = arith.constant 0.000000e+00 : f32
    %broadcast_in_dim3A_0 = vector.broadcast %broadcast_in_dim3A : f32 to vector<16xf32>
    %broadcast_in_dim3A_1 = arith.constant 1.000000e+00 : f32
    %broadcast_in_dim3A_2 = vector.broadcast %broadcast_in_dim3A_1 : f32 to vector<16xf32>
    %scan3A = arith.constant 0 : i32
    %scan3A_3 = arith.constant 0 : i32
    %scan3A_4 = arith.constant 640 : i32
    %scan3A_5 = arith.addi %scan3A_3, %scan3A_4 : i32
    %scan3A_6 = arith.constant 1 : i32
    %scan3A_7 = scf.for %scan3A_17 = %scan3A_3 to %scan3A_5 step %scan3A_6 iter_args(%scan3A_18 = %scan3A) -> (i32)  : i32 {
      %mul3A_19 = arith.constant 16 : i32
      %mul3A_20 = arith.muli %scan3A_17, %mul3A_19 : i32
      %swap3A = arith.index_cast %mul3A_20 : i32 to index
      %swap3A_21 = tpu.vector_load %arg5[%swap3A] {strides = array<i32>} : memref<10240xf32, #tpu.memory_space<vmem>>, vector<16xf32>,
      tpu.vector_store %arg5[%swap3A], %broadcast_in_dim3A_0 {strides = array<i32>} : memref<10240xf32, #tpu.memory_space<vmem>>, vector<16xf32>,
      %scan3A_22 = arith.constant 0 : i32
      scf.yield %scan3A_22 : i32
    }
    %scan3A_8 = arith.constant 640 : i32
    %scan3A_9 = arith.constant 0 : i32
    %scan3A_10 = arith.constant 0 : i32
    %scan3A_11 = arith.constant 42 : i32
    %scan3A_12 = arith.addi %scan3A_10, %scan3A_11 : i32
    %scan3A_13 = arith.constant 1 : i32
    %scan3A_14 = scf.for %scan3A_17 = %scan3A_10 to %scan3A_12 step %scan3A_13 iter_args(%scan3A_18 = %scan3A_9) -> (i32)  : i32 {
      %mul3A_19 = arith.constant 42 : i32
      %mul3A_20 = arith.muli %arg0, %mul3A_19 : i32
      %add3A_21 = arith.addi %mul3A_20, %scan3A_17 : i32
      %get3A = arith.index_cast %add3A_21 : i32 to index
      %get3A_22 = arith.constant 0 : index
      %get3A_23 = tpu.vector_load %arg4[%get3A, %get3A_22] {strides = array<i32>} : memref<84x128xi32, #tpu.memory_space<vmem>>, vector<16xi32>,
      tpu.vector_store_idx %arg5[%get3A_23], %broadcast_in_dim3A_2 {add = true} : memref<10240xf32, #tpu.memory_space<vmem>>[vector<16xi32>], vector<16xf32>,
      %get3A_24 = arith.index_cast %add3A_21 : i32 to index
      %get3A_25 = arith.constant 16 : index
      %get3A_26 = tpu.vector_load %arg4[%get3A_24, %get3A_25] {strides = array<i32>} : memref<84x128xi32, #tpu.memory_space<vmem>>, vector<16xi32>,
      tpu.vector_store_idx %arg5[%get3A_26], %broadcast_in_dim3A_2 {add = true} : memref<10240xf32, #tpu.memory_space<vmem>>[vector<16xi32>], vector<16xf32>,
      %get3A_27 = arith.index_cast %add3A_21 : i32 to index
      %get3A_28 = arith.constant 32 : index
      %get3A_29 = tpu.vector_load %arg4[%get3A_27, %get3A_28] {strides = array<i32>} : memref<84x128xi32, #tpu.memory_space<vmem>>, vector<16xi32>,
      tpu.vector_store_idx %arg5[%get3A_29], %broadcast_in_dim3A_2 {add = true} : memref<10240xf32, #tpu.memory_space<vmem>>[vector<16xi32>], vector<16xf32>,
      %get3A_30 = arith.index_cast %add3A_21 : i32 to index
      %get3A_31 = arith.constant 48 : index
      %get3A_32 = tpu.vector_load %arg4[%get3A_30, %get3A_31] {strides = array<i32>} : memref<84x128xi32, #tpu.memory_space<vmem>>, vector<16xi32>,
      tpu.vector_store_idx %arg5[%get3A_32], %broadcast_in_dim3A_2 {add = true} : memref<10240xf32, #tpu.memory_space<vmem>>[vector<16xi32>], vector<16xf32>,
      %get3A_33 = arith.index_cast %add3A_21 : i32 to index
      %get3A_34 = arith.constant 64 : index
      %get3A_35 = tpu.vector_load %arg4[%get3A_33, %get3A_34] {strides = array<i32>} : memref<84x128xi32, #tpu.memory_space<vmem>>, vector<16xi32>,
      tpu.vector_store_idx %arg5[%get3A_35], %broadcast_in_dim3A_2 {add = true} : memref<10240xf32, #tpu.memory_space<vmem>>[vector<16xi32>], vector<16xf32>,
      %get3A_36 = arith.index_cast %add3A_21 : i32 to index
      %get3A_37 = arith.constant 80 : index
      %get3A_38 = tpu.vector_load %arg4[%get3A_36, %get3A_37] {strides = array<i32>} : memref<84x128xi32, #tpu.memory_space<vmem>>, vector<16xi32>,
      tpu.vector_store_idx %arg5[%get3A_38], %broadcast_in_dim3A_2 {add = true} : memref<10240xf32, #tpu.memory_space<vmem>>[vector<16xi32>], vector<16xf32>,
      %get3A_39 = arith.index_cast %add3A_21 : i32 to index
      %get3A_40 = arith.constant 96 : index
      %get3A_41 = tpu.vector_load %arg4[%get3A_39, %get3A_40] {strides = array<i32>} : memref<84x128xi32, #tpu.memory_space<vmem>>, vector<16xi32>,
      tpu.vector_store_idx %arg5[%get3A_41], %broadcast_in_dim3A_2 {add = true} : memref<10240xf32, #tpu.memory_space<vmem>>[vector<16xi32>], vector<16xf32>,
      %get3A_42 = arith.index_cast %add3A_21 : i32 to index
      %get3A_43 = arith.constant 112 : index
      %get3A_44 = tpu.vector_load %arg4[%get3A_42, %get3A_43] {strides = array<i32>} : memref<84x128xi32, #tpu.memory_space<vmem>>, vector<16xi32>,
      tpu.vector_store_idx %arg5[%get3A_44], %broadcast_in_dim3A_2 {add = true} : memref<10240xf32, #tpu.memory_space<vmem>>[vector<16xi32>], vector<16xf32>,
      %scan3A_45 = arith.constant 0 : i32
      scf.yield %scan3A_45 : i32
    }
    %scan3A_15 = arith.constant 42 : i32
    %mul3A = arith.constant 2 : i32
    %mul3A_16 = arith.muli %arg1, %mul3A : i32
    %add3A = arith.addi %mul3A_16, %arg0 : i32
    "tpu.region"() ({
      %run_scoped3A_17 = tpu.sem_alloc : memref<!tpu.dma_semaphore, #tpu.memory_space<semaphore_mem>>
      %dma_start3A = arith.constant 0 : i32
      %dma_start3A_18 = tpu.memref_slice %arg3[%add3A, %dma_start3A] : memref<32x10240xf32, #tpu.memory_space<hbm>> -> memref<1x10240xf32, #tpu.memory_space<hbm>>
      %dma_start3A_19 = tpu.memref_squeeze %dma_start3A_18 : memref<1x10240xf32, #tpu.memory_space<hbm>> -> memref<10240xf32, #tpu.memory_space<hbm>>
      %dma_start3A_20 = arith.constant 0 : i32
      %dma_start3A_21 = tpu.memref_slice %arg3[%add3A, %dma_start3A_20] : memref<32x10240xf32, #tpu.memory_space<hbm>> -> memref<1x10240xf32, #tpu.memory_space<hbm>>
      %dma_start3A_22 = tpu.memref_squeeze %dma_start3A_21 : memref<1x10240xf32, #tpu.memory_space<hbm>> -> memref<10240xf32, #tpu.memory_space<hbm>>
      tpu.enqueue_dma source(%arg5 : memref<10240xf32, #tpu.memory_space<vmem>>) target(%dma_start3A_22 : memref<10240xf32, #tpu.memory_space<hbm>>) target_semaphore(%run_scoped3A_17 : memref<!tpu.dma_semaphore, #tpu.memory_space<semaphore_mem>>)
      %dma_wait3A = arith.constant 0 : i32
      %dma_wait3A_23 = tpu.memref_slice %arg3[%add3A, %dma_wait3A] : memref<32x10240xf32, #tpu.memory_space<hbm>> -> memref<1x10240xf32, #tpu.memory_space<hbm>>
      %dma_wait3A_24 = tpu.memref_squeeze %dma_wait3A_23 : memref<1x10240xf32, #tpu.memory_space<hbm>> -> memref<10240xf32, #tpu.memory_space<hbm>>
      %dma_wait3A_25 = arith.constant 0 : i32
      %dma_wait3A_26 = tpu.memref_slice %arg3[%add3A, %dma_wait3A_25] : memref<32x10240xf32, #tpu.memory_space<hbm>> -> memref<1x10240xf32, #tpu.memory_space<hbm>>
      %dma_wait3A_27 = tpu.memref_squeeze %dma_wait3A_26 : memref<1x10240xf32, #tpu.memory_space<hbm>> -> memref<10240xf32, #tpu.memory_space<hbm>>
      tpu.wait_dma2 semaphore(%run_scoped3A_17 : memref<!tpu.dma_semaphore, #tpu.memory_space<semaphore_mem>>) src(%arg5 : memref<10240xf32, #tpu.memory_space<vmem>>) dst(%dma_wait3A_27 : memref<10240xf32, #tpu.memory_space<hbm>>)
      tpu.yield
    }) : () -> ()
    return
  }
}

#map = affine_map<(d0, d1) -> (0, 0, 0, 0)>
#map1 = affine_map<(d0, d1) -> (0, 0)>
module attributes {stable_mosaic.version = 14 : i64} {
  func.func @_prop(%arg0: i32, %arg1: i32, %arg2: memref<2x16x84x128xi32, #tpu.memory_space<hbm>>, %arg3: memref<10240x128xbf16, #tpu.memory_space<hbm>>, %arg4: memref<10240x128xbf16, #tpu.memory_space<hbm>>, %arg5: memref<10240x128xbf16, #tpu.memory_space<hbm>>, %arg6: memref<10240x128xbf16, #tpu.memory_space<hbm>>, %arg7: memref<84x128xi32, #tpu.memory_space<vmem>>, %arg8: memref<84x128xi32, #tpu.memory_space<vmem>>, %arg9: memref<8x128x128xbf16, #tpu.memory_space<vmem>>, %arg10: memref<10240x128xbf16, #tpu.memory_space<vmem_shared>>, %arg11: memref<8x!tpu.dma_semaphore, #tpu.memory_space<semaphore_mem>>, %arg12: memref<8x!tpu.dma_semaphore, #tpu.memory_space<semaphore_mem>>) attributes {dimension_semantics = [#tpu.dimension_semantics<core_parallel>, #tpu.dimension_semantics<subcore_parallel>], iteration_bounds = array<i64: 2, 16>, scalar_prefetch = 0 : i64, scratch_operands = 6 : i64, tpu.core_type = #tpu.core_type<sc_vector_subcore>, window_params = [{transform_indices = #map}, {transform_indices = #map1}, {transform_indices = #map1}, {transform_indices = #map1}, {transform_indices = #map1}]} {
    %run_scoped3A = arith.constant 0 : i32
    "tpu.region"() ({
      %run_scoped3A_271 = tpu.sem_alloc : memref<!tpu.dma_semaphore, #tpu.memory_space<semaphore_mem>>
      %dma_start3A = arith.constant 0 : i32
      %dma_start3A_272 = arith.constant 0 : i32
      %dma_start3A_273 = arith.constant 0 : i32
      %dma_start3A_274 = tpu.memref_slice %arg2[%run_scoped3A, %dma_start3A, %dma_start3A_272, %dma_start3A_273] : memref<2x16x84x128xi32, #tpu.memory_space<hbm>> -> memref<1x16x84x128xi32, #tpu.memory_space<hbm>>
      %dma_start3A_275 = tpu.memref_squeeze %dma_start3A_274 : memref<1x16x84x128xi32, #tpu.memory_space<hbm>> -> memref<16x84x128xi32, #tpu.memory_space<hbm>>
      %dma_start3A_276 = arith.constant 0 : i32
      %dma_start3A_277 = arith.constant 0 : i32
      %dma_start3A_278 = tpu.memref_slice %dma_start3A_275[%arg1, %dma_start3A_276, %dma_start3A_277] : memref<16x84x128xi32, #tpu.memory_space<hbm>> -> memref<1x84x128xi32, #tpu.memory_space<hbm>>
      %dma_start3A_279 = tpu.memref_squeeze %dma_start3A_278 : memref<1x84x128xi32, #tpu.memory_space<hbm>> -> memref<84x128xi32, #tpu.memory_space<hbm>>
      %dma_start3A_280 = arith.constant 0 : i32
      %dma_start3A_281 = arith.constant 0 : i32
      %dma_start3A_282 = arith.constant 0 : i32
      %dma_start3A_283 = tpu.memref_slice %arg2[%run_scoped3A, %dma_start3A_280, %dma_start3A_281, %dma_start3A_282] : memref<2x16x84x128xi32, #tpu.memory_space<hbm>> -> memref<1x16x84x128xi32, #tpu.memory_space<hbm>>
      %dma_start3A_284 = tpu.memref_squeeze %dma_start3A_283 : memref<1x16x84x128xi32, #tpu.memory_space<hbm>> -> memref<16x84x128xi32, #tpu.memory_space<hbm>>
      %dma_start3A_285 = arith.constant 0 : i32
      %dma_start3A_286 = arith.constant 0 : i32
      %dma_start3A_287 = tpu.memref_slice %dma_start3A_284[%arg1, %dma_start3A_285, %dma_start3A_286] : memref<16x84x128xi32, #tpu.memory_space<hbm>> -> memref<1x84x128xi32, #tpu.memory_space<hbm>>
      %dma_start3A_288 = tpu.memref_squeeze %dma_start3A_287 : memref<1x84x128xi32, #tpu.memory_space<hbm>> -> memref<84x128xi32, #tpu.memory_space<hbm>>
      tpu.enqueue_dma source(%dma_start3A_288 : memref<84x128xi32, #tpu.memory_space<hbm>>) target(%arg7 : memref<84x128xi32, #tpu.memory_space<vmem>>) target_semaphore(%run_scoped3A_271 : memref<!tpu.dma_semaphore, #tpu.memory_space<semaphore_mem>>)
      %dma_wait3A_289 = arith.constant 0 : i32
      %dma_wait3A_290 = arith.constant 0 : i32
      %dma_wait3A_291 = arith.constant 0 : i32
      %dma_wait3A_292 = tpu.memref_slice %arg2[%run_scoped3A, %dma_wait3A_289, %dma_wait3A_290, %dma_wait3A_291] : memref<2x16x84x128xi32, #tpu.memory_space<hbm>> -> memref<1x16x84x128xi32, #tpu.memory_space<hbm>>
      %dma_wait3A_293 = tpu.memref_squeeze %dma_wait3A_292 : memref<1x16x84x128xi32, #tpu.memory_space<hbm>> -> memref<16x84x128xi32, #tpu.memory_space<hbm>>
      %dma_wait3A_294 = arith.constant 0 : i32
      %dma_wait3A_295 = arith.constant 0 : i32
      %dma_wait3A_296 = tpu.memref_slice %dma_wait3A_293[%arg1, %dma_wait3A_294, %dma_wait3A_295] : memref<16x84x128xi32, #tpu.memory_space<hbm>> -> memref<1x84x128xi32, #tpu.memory_space<hbm>>
      %dma_wait3A_297 = tpu.memref_squeeze %dma_wait3A_296 : memref<1x84x128xi32, #tpu.memory_space<hbm>> -> memref<84x128xi32, #tpu.memory_space<hbm>>
      %dma_wait3A_298 = arith.constant 0 : i32
      %dma_wait3A_299 = arith.constant 0 : i32
      %dma_wait3A_300 = arith.constant 0 : i32
      %dma_wait3A_301 = tpu.memref_slice %arg2[%run_scoped3A, %dma_wait3A_298, %dma_wait3A_299, %dma_wait3A_300] : memref<2x16x84x128xi32, #tpu.memory_space<hbm>> -> memref<1x16x84x128xi32, #tpu.memory_space<hbm>>
      %dma_wait3A_302 = tpu.memref_squeeze %dma_wait3A_301 : memref<1x16x84x128xi32, #tpu.memory_space<hbm>> -> memref<16x84x128xi32, #tpu.memory_space<hbm>>
      %dma_wait3A_303 = arith.constant 0 : i32
      %dma_wait3A_304 = arith.constant 0 : i32
      %dma_wait3A_305 = tpu.memref_slice %dma_wait3A_302[%arg1, %dma_wait3A_303, %dma_wait3A_304] : memref<16x84x128xi32, #tpu.memory_space<hbm>> -> memref<1x84x128xi32, #tpu.memory_space<hbm>>
      %dma_wait3A_306 = tpu.memref_squeeze %dma_wait3A_305 : memref<1x84x128xi32, #tpu.memory_space<hbm>> -> memref<84x128xi32, #tpu.memory_space<hbm>>
      tpu.wait_dma2 semaphore(%run_scoped3A_271 : memref<!tpu.dma_semaphore, #tpu.memory_space<semaphore_mem>>) src(%dma_wait3A_306 : memref<84x128xi32, #tpu.memory_space<hbm>>) dst(%arg7 : memref<84x128xi32, #tpu.memory_space<vmem>>)
      tpu.yield
    }) : () -> ()
    %run_scoped3A_0 = arith.constant 1 : i32
    "tpu.region"() ({
      %run_scoped3A_271 = tpu.sem_alloc : memref<!tpu.dma_semaphore, #tpu.memory_space<semaphore_mem>>
      %dma_start3A = arith.constant 0 : i32
      %dma_start3A_272 = arith.constant 0 : i32
      %dma_start3A_273 = arith.constant 0 : i32
      %dma_start3A_274 = tpu.memref_slice %arg2[%run_scoped3A_0, %dma_start3A, %dma_start3A_272, %dma_start3A_273] : memref<2x16x84x128xi32, #tpu.memory_space<hbm>> -> memref<1x16x84x128xi32, #tpu.memory_space<hbm>>
      %dma_start3A_275 = tpu.memref_squeeze %dma_start3A_274 : memref<1x16x84x128xi32, #tpu.memory_space<hbm>> -> memref<16x84x128xi32, #tpu.memory_space<hbm>>
      %dma_start3A_276 = arith.constant 0 : i32
      %dma_start3A_277 = arith.constant 0 : i32
      %dma_start3A_278 = tpu.memref_slice %dma_start3A_275[%arg1, %dma_start3A_276, %dma_start3A_277] : memref<16x84x128xi32, #tpu.memory_space<hbm>> -> memref<1x84x128xi32, #tpu.memory_space<hbm>>
      %dma_start3A_279 = tpu.memref_squeeze %dma_start3A_278 : memref<1x84x128xi32, #tpu.memory_space<hbm>> -> memref<84x128xi32, #tpu.memory_space<hbm>>
      %dma_start3A_280 = arith.constant 0 : i32
      %dma_start3A_281 = arith.constant 0 : i32
      %dma_start3A_282 = arith.constant 0 : i32
      %dma_start3A_283 = tpu.memref_slice %arg2[%run_scoped3A_0, %dma_start3A_280, %dma_start3A_281, %dma_start3A_282] : memref<2x16x84x128xi32, #tpu.memory_space<hbm>> -> memref<1x16x84x128xi32, #tpu.memory_space<hbm>>
      %dma_start3A_284 = tpu.memref_squeeze %dma_start3A_283 : memref<1x16x84x128xi32, #tpu.memory_space<hbm>> -> memref<16x84x128xi32, #tpu.memory_space<hbm>>
      %dma_start3A_285 = arith.constant 0 : i32
      %dma_start3A_286 = arith.constant 0 : i32
      %dma_start3A_287 = tpu.memref_slice %dma_start3A_284[%arg1, %dma_start3A_285, %dma_start3A_286] : memref<16x84x128xi32, #tpu.memory_space<hbm>> -> memref<1x84x128xi32, #tpu.memory_space<hbm>>
      %dma_start3A_288 = tpu.memref_squeeze %dma_start3A_287 : memref<1x84x128xi32, #tpu.memory_space<hbm>> -> memref<84x128xi32, #tpu.memory_space<hbm>>
      tpu.enqueue_dma source(%dma_start3A_288 : memref<84x128xi32, #tpu.memory_space<hbm>>) target(%arg8 : memref<84x128xi32, #tpu.memory_space<vmem>>) target_semaphore(%run_scoped3A_271 : memref<!tpu.dma_semaphore, #tpu.memory_space<semaphore_mem>>)
      %dma_wait3A_289 = arith.constant 0 : i32
      %dma_wait3A_290 = arith.constant 0 : i32
      %dma_wait3A_291 = arith.constant 0 : i32
      %dma_wait3A_292 = tpu.memref_slice %arg2[%run_scoped3A_0, %dma_wait3A_289, %dma_wait3A_290, %dma_wait3A_291] : memref<2x16x84x128xi32, #tpu.memory_space<hbm>> -> memref<1x16x84x128xi32, #tpu.memory_space<hbm>>
      %dma_wait3A_293 = tpu.memref_squeeze %dma_wait3A_292 : memref<1x16x84x128xi32, #tpu.memory_space<hbm>> -> memref<16x84x128xi32, #tpu.memory_space<hbm>>
      %dma_wait3A_294 = arith.constant 0 : i32
      %dma_wait3A_295 = arith.constant 0 : i32
      %dma_wait3A_296 = tpu.memref_slice %dma_wait3A_293[%arg1, %dma_wait3A_294, %dma_wait3A_295] : memref<16x84x128xi32, #tpu.memory_space<hbm>> -> memref<1x84x128xi32, #tpu.memory_space<hbm>>
      %dma_wait3A_297 = tpu.memref_squeeze %dma_wait3A_296 : memref<1x84x128xi32, #tpu.memory_space<hbm>> -> memref<84x128xi32, #tpu.memory_space<hbm>>
      %dma_wait3A_298 = arith.constant 0 : i32
      %dma_wait3A_299 = arith.constant 0 : i32
      %dma_wait3A_300 = arith.constant 0 : i32
      %dma_wait3A_301 = tpu.memref_slice %arg2[%run_scoped3A_0, %dma_wait3A_298, %dma_wait3A_299, %dma_wait3A_300] : memref<2x16x84x128xi32, #tpu.memory_space<hbm>> -> memref<1x16x84x128xi32, #tpu.memory_space<hbm>>
      %dma_wait3A_302 = tpu.memref_squeeze %dma_wait3A_301 : memref<1x16x84x128xi32, #tpu.memory_space<hbm>> -> memref<16x84x128xi32, #tpu.memory_space<hbm>>
      %dma_wait3A_303 = arith.constant 0 : i32
      %dma_wait3A_304 = arith.constant 0 : i32
      %dma_wait3A_305 = tpu.memref_slice %dma_wait3A_302[%arg1, %dma_wait3A_303, %dma_wait3A_304] : memref<16x84x128xi32, #tpu.memory_space<hbm>> -> memref<1x84x128xi32, #tpu.memory_space<hbm>>
      %dma_wait3A_306 = tpu.memref_squeeze %dma_wait3A_305 : memref<1x84x128xi32, #tpu.memory_space<hbm>> -> memref<84x128xi32, #tpu.memory_space<hbm>>
      tpu.wait_dma2 semaphore(%run_scoped3A_271 : memref<!tpu.dma_semaphore, #tpu.memory_space<semaphore_mem>>) src(%dma_wait3A_306 : memref<84x128xi32, #tpu.memory_space<hbm>>) dst(%arg8 : memref<84x128xi32, #tpu.memory_space<vmem>>)
      tpu.yield
    }) : () -> ()
    %broadcast_in_dim3A = arith.constant 0.000000e+00 : bf16
    %broadcast_in_dim3A_1 = vector.broadcast %broadcast_in_dim3A : bf16 to vector<32xbf16>
    %scan3A = arith.constant 0 : i32
    %scan3A_2 = arith.constant 0 : i32
    %scan3A_3 = arith.constant 128 : i32
    %scan3A_4 = arith.addi %scan3A_2, %scan3A_3 : i32
    %scan3A_5 = arith.constant 1 : i32
    %scan3A_6 = scf.for %scan3A_271 = %scan3A_2 to %scan3A_4 step %scan3A_5 iter_args(%scan3A_272 = %scan3A) -> (i32)  : i32 {
      %swap3A = arith.constant 0 : i32
      %swap3A_273 = arith.index_cast %swap3A : i32 to index
      %swap3A_274 = arith.index_cast %scan3A_271 : i32 to index
      %swap3A_275 = arith.constant 0 : index
      %swap3A_276 = tpu.vector_load %arg9[%swap3A_273, %swap3A_274, %swap3A_275] {strides = array<i32>} : memref<8x128x128xbf16, #tpu.memory_space<vmem>>, vector<32xbf16>,
      tpu.vector_store %arg9[%swap3A_273, %swap3A_274, %swap3A_275], %broadcast_in_dim3A_1 {strides = array<i32>} : memref<8x128x128xbf16, #tpu.memory_space<vmem>>, vector<32xbf16>,
      %swap3A_277 = arith.constant 0 : i32
      %swap3A_278 = arith.index_cast %swap3A_277 : i32 to index
      %swap3A_279 = arith.index_cast %scan3A_271 : i32 to index
      %swap3A_280 = arith.constant 32 : index
      %swap3A_281 = tpu.vector_load %arg9[%swap3A_278, %swap3A_279, %swap3A_280] {strides = array<i32>} : memref<8x128x128xbf16, #tpu.memory_space<vmem>>, vector<32xbf16>,
      tpu.vector_store %arg9[%swap3A_278, %swap3A_279, %swap3A_280], %broadcast_in_dim3A_1 {strides = array<i32>} : memref<8x128x128xbf16, #tpu.memory_space<vmem>>, vector<32xbf16>,
      %swap3A_282 = arith.constant 0 : i32
      %swap3A_283 = arith.index_cast %swap3A_282 : i32 to index
      %swap3A_284 = arith.index_cast %scan3A_271 : i32 to index
      %swap3A_285 = arith.constant 64 : index
      %swap3A_286 = tpu.vector_load %arg9[%swap3A_283, %swap3A_284, %swap3A_285] {strides = array<i32>} : memref<8x128x128xbf16, #tpu.memory_space<vmem>>, vector<32xbf16>,
      tpu.vector_store %arg9[%swap3A_283, %swap3A_284, %swap3A_285], %broadcast_in_dim3A_1 {strides = array<i32>} : memref<8x128x128xbf16, #tpu.memory_space<vmem>>, vector<32xbf16>,
      %swap3A_287 = arith.constant 0 : i32
      %swap3A_288 = arith.index_cast %swap3A_287 : i32 to index
      %swap3A_289 = arith.index_cast %scan3A_271 : i32 to index
      %swap3A_290 = arith.constant 96 : index
      %swap3A_291 = tpu.vector_load %arg9[%swap3A_288, %swap3A_289, %swap3A_290] {strides = array<i32>} : memref<8x128x128xbf16, #tpu.memory_space<vmem>>, vector<32xbf16>,
      tpu.vector_store %arg9[%swap3A_288, %swap3A_289, %swap3A_290], %broadcast_in_dim3A_1 {strides = array<i32>} : memref<8x128x128xbf16, #tpu.memory_space<vmem>>, vector<32xbf16>,
      %scan3A_292 = arith.constant 0 : i32
      scf.yield %scan3A_292 : i32
    }
    %scan3A_7 = arith.constant 128 : i32
    %mul3A = arith.constant 640 : i32
    %mul3A_8 = arith.muli %arg1, %mul3A : i32
    %add3A = arith.constant 0 : i32
    %add3A_9 = arith.addi %mul3A_8, %add3A : i32
    %run_scoped3A_10 = arith.constant 0 : i32
    "tpu.region"() ({
      %run_scoped3A_271 = tpu.sem_alloc : memref<!tpu.dma_semaphore, #tpu.memory_space<semaphore_mem>>
      %dma_start3A = arith.constant 0 : i32
      %dma_start3A_272 = arith.constant 0 : i32
      %dma_start3A_273 = tpu.memref_slice %arg9[%run_scoped3A_10, %dma_start3A, %dma_start3A_272] : memref<8x128x128xbf16, #tpu.memory_space<vmem>> -> memref<1x128x128xbf16, #tpu.memory_space<vmem>>
      %dma_start3A_274 = tpu.memref_squeeze %dma_start3A_273 : memref<1x128x128xbf16, #tpu.memory_space<vmem>> -> memref<128x128xbf16, #tpu.memory_space<vmem>>
      %dma_start3A_275 = arith.constant 0 : i32
      %dma_start3A_276 = tpu.memref_slice %arg10[%add3A_9, %dma_start3A_275] : memref<10240x128xbf16, #tpu.memory_space<vmem_shared>> -> memref<128x128xbf16, #tpu.memory_space<vmem_shared>>
      %dma_start3A_277 = arith.constant 0 : i32
      %dma_start3A_278 = tpu.memref_slice %arg10[%add3A_9, %dma_start3A_277] : memref<10240x128xbf16, #tpu.memory_space<vmem_shared>> -> memref<128x128xbf16, #tpu.memory_space<vmem_shared>>
      %dma_start3A_279 = arith.constant 0 : i32
      %dma_start3A_280 = arith.constant 0 : i32
      %dma_start3A_281 = tpu.memref_slice %arg9[%run_scoped3A_10, %dma_start3A_279, %dma_start3A_280] : memref<8x128x128xbf16, #tpu.memory_space<vmem>> -> memref<1x128x128xbf16, #tpu.memory_space<vmem>>
      %dma_start3A_282 = tpu.memref_squeeze %dma_start3A_281 : memref<1x128x128xbf16, #tpu.memory_space<vmem>> -> memref<128x128xbf16, #tpu.memory_space<vmem>>
      tpu.enqueue_dma source(%dma_start3A_282 : memref<128x128xbf16, #tpu.memory_space<vmem>>) target(%dma_start3A_278 : memref<128x128xbf16, #tpu.memory_space<vmem_shared>>) target_semaphore(%run_scoped3A_271 : memref<!tpu.dma_semaphore, #tpu.memory_space<semaphore_mem>>)
      %dma_wait3A_283 = arith.constant 0 : i32
      %dma_wait3A_284 = arith.constant 0 : i32
      %dma_wait3A_285 = tpu.memref_slice %arg9[%run_scoped3A_10, %dma_wait3A_283, %dma_wait3A_284] : memref<8x128x128xbf16, #tpu.memory_space<vmem>> -> memref<1x128x128xbf16, #tpu.memory_space<vmem>>
      %dma_wait3A_286 = tpu.memref_squeeze %dma_wait3A_285 : memref<1x128x128xbf16, #tpu.memory_space<vmem>> -> memref<128x128xbf16, #tpu.memory_space<vmem>>
      %dma_wait3A_287 = arith.constant 0 : i32
      %dma_wait3A_288 = tpu.memref_slice %arg10[%add3A_9, %dma_wait3A_287] : memref<10240x128xbf16, #tpu.memory_space<vmem_shared>> -> memref<128x128xbf16, #tpu.memory_space<vmem_shared>>
      %dma_wait3A_289 = arith.constant 0 : i32
      %dma_wait3A_290 = tpu.memref_slice %arg10[%add3A_9, %dma_wait3A_289] : memref<10240x128xbf16, #tpu.memory_space<vmem_shared>> -> memref<128x128xbf16, #tpu.memory_space<vmem_shared>>
      %dma_wait3A_291 = arith.constant 0 : i32
      %dma_wait3A_292 = arith.constant 0 : i32
      %dma_wait3A_293 = tpu.memref_slice %arg9[%run_scoped3A_10, %dma_wait3A_291, %dma_wait3A_292] : memref<8x128x128xbf16, #tpu.memory_space<vmem>> -> memref<1x128x128xbf16, #tpu.memory_space<vmem>>
      %dma_wait3A_294 = tpu.memref_squeeze %dma_wait3A_293 : memref<1x128x128xbf16, #tpu.memory_space<vmem>> -> memref<128x128xbf16, #tpu.memory_space<vmem>>
      tpu.wait_dma2 semaphore(%run_scoped3A_271 : memref<!tpu.dma_semaphore, #tpu.memory_space<semaphore_mem>>) src(%dma_wait3A_294 : memref<128x128xbf16, #tpu.memory_space<vmem>>) dst(%dma_wait3A_290 : memref<128x128xbf16, #tpu.memory_space<vmem_shared>>)
      tpu.yield
    }) : () -> ()
    %mul3A_11 = arith.constant 640 : i32
    %mul3A_12 = arith.muli %arg1, %mul3A_11 : i32
    %add3A_13 = arith.constant 128 : i32
    %add3A_14 = arith.addi %mul3A_12, %add3A_13 : i32
    %run_scoped3A_15 = arith.constant 0 : i32
    "tpu.region"() ({
      %run_scoped3A_271 = tpu.sem_alloc : memref<!tpu.dma_semaphore, #tpu.memory_space<semaphore_mem>>
      %dma_start3A = arith.constant 0 : i32
      %dma_start3A_272 = arith.constant 0 : i32
      %dma_start3A_273 = tpu.memref_slice %arg9[%run_scoped3A_15, %dma_start3A, %dma_start3A_272] : memref<8x128x128xbf16, #tpu.memory_space<vmem>> -> memref<1x128x128xbf16, #tpu.memory_space<vmem>>
      %dma_start3A_274 = tpu.memref_squeeze %dma_start3A_273 : memref<1x128x128xbf16, #tpu.memory_space<vmem>> -> memref<128x128xbf16, #tpu.memory_space<vmem>>
      %dma_start3A_275 = arith.constant 0 : i32
      %dma_start3A_276 = tpu.memref_slice %arg10[%add3A_14, %dma_start3A_275] : memref<10240x128xbf16, #tpu.memory_space<vmem_shared>> -> memref<128x128xbf16, #tpu.memory_space<vmem_shared>>
      %dma_start3A_277 = arith.constant 0 : i32
      %dma_start3A_278 = tpu.memref_slice %arg10[%add3A_14, %dma_start3A_277] : memref<10240x128xbf16, #tpu.memory_space<vmem_shared>> -> memref<128x128xbf16, #tpu.memory_space<vmem_shared>>
      %dma_start3A_279 = arith.constant 0 : i32
      %dma_start3A_280 = arith.constant 0 : i32
      %dma_start3A_281 = tpu.memref_slice %arg9[%run_scoped3A_15, %dma_start3A_279, %dma_start3A_280] : memref<8x128x128xbf16, #tpu.memory_space<vmem>> -> memref<1x128x128xbf16, #tpu.memory_space<vmem>>
      %dma_start3A_282 = tpu.memref_squeeze %dma_start3A_281 : memref<1x128x128xbf16, #tpu.memory_space<vmem>> -> memref<128x128xbf16, #tpu.memory_space<vmem>>
      tpu.enqueue_dma source(%dma_start3A_282 : memref<128x128xbf16, #tpu.memory_space<vmem>>) target(%dma_start3A_278 : memref<128x128xbf16, #tpu.memory_space<vmem_shared>>) target_semaphore(%run_scoped3A_271 : memref<!tpu.dma_semaphore, #tpu.memory_space<semaphore_mem>>)
      %dma_wait3A_283 = arith.constant 0 : i32
      %dma_wait3A_284 = arith.constant 0 : i32
      %dma_wait3A_285 = tpu.memref_slice %arg9[%run_scoped3A_15, %dma_wait3A_283, %dma_wait3A_284] : memref<8x128x128xbf16, #tpu.memory_space<vmem>> -> memref<1x128x128xbf16, #tpu.memory_space<vmem>>
      %dma_wait3A_286 = tpu.memref_squeeze %dma_wait3A_285 : memref<1x128x128xbf16, #tpu.memory_space<vmem>> -> memref<128x128xbf16, #tpu.memory_space<vmem>>
      %dma_wait3A_287 = arith.constant 0 : i32
      %dma_wait3A_288 = tpu.memref_slice %arg10[%add3A_14, %dma_wait3A_287] : memref<10240x128xbf16, #tpu.memory_space<vmem_shared>> -> memref<128x128xbf16, #tpu.memory_space<vmem_shared>>
      %dma_wait3A_289 = arith.constant 0 : i32
      %dma_wait3A_290 = tpu.memref_slice %arg10[%add3A_14, %dma_wait3A_289] : memref<10240x128xbf16, #tpu.memory_space<vmem_shared>> -> memref<128x128xbf16, #tpu.memory_space<vmem_shared>>
      %dma_wait3A_291 = arith.constant 0 : i32
      %dma_wait3A_292 = arith.constant 0 : i32
      %dma_wait3A_293 = tpu.memref_slice %arg9[%run_scoped3A_15, %dma_wait3A_291, %dma_wait3A_292] : memref<8x128x128xbf16, #tpu.memory_space<vmem>> -> memref<1x128x128xbf16, #tpu.memory_space<vmem>>
      %dma_wait3A_294 = tpu.memref_squeeze %dma_wait3A_293 : memref<1x128x128xbf16, #tpu.memory_space<vmem>> -> memref<128x128xbf16, #tpu.memory_space<vmem>>
      tpu.wait_dma2 semaphore(%run_scoped3A_271 : memref<!tpu.dma_semaphore, #tpu.memory_space<semaphore_mem>>) src(%dma_wait3A_294 : memref<128x128xbf16, #tpu.memory_space<vmem>>) dst(%dma_wait3A_290 : memref<128x128xbf16, #tpu.memory_space<vmem_shared>>)
      tpu.yield
    }) : () -> ()
    %mul3A_16 = arith.constant 640 : i32
    %mul3A_17 = arith.muli %arg1, %mul3A_16 : i32
    %add3A_18 = arith.constant 256 : i32
    %add3A_19 = arith.addi %mul3A_17, %add3A_18 : i32
    %run_scoped3A_20 = arith.constant 0 : i32
    "tpu.region"() ({
      %run_scoped3A_271 = tpu.sem_alloc : memref<!tpu.dma_semaphore, #tpu.memory_space<semaphore_mem>>
      %dma_start3A = arith.constant 0 : i32
      %dma_start3A_272 = arith.constant 0 : i32
      %dma_start3A_273 = tpu.memref_slice %arg9[%run_scoped3A_20, %dma_start3A, %dma_start3A_272] : memref<8x128x128xbf16, #tpu.memory_space<vmem>> -> memref<1x128x128xbf16, #tpu.memory_space<vmem>>
      %dma_start3A_274 = tpu.memref_squeeze %dma_start3A_273 : memref<1x128x128xbf16, #tpu.memory_space<vmem>> -> memref<128x128xbf16, #tpu.memory_space<vmem>>
      %dma_start3A_275 = arith.constant 0 : i32
      %dma_start3A_276 = tpu.memref_slice %arg10[%add3A_19, %dma_start3A_275] : memref<10240x128xbf16, #tpu.memory_space<vmem_shared>> -> memref<128x128xbf16, #tpu.memory_space<vmem_shared>>
      %dma_start3A_277 = arith.constant 0 : i32
      %dma_start3A_278 = tpu.memref_slice %arg10[%add3A_19, %dma_start3A_277] : memref<10240x128xbf16, #tpu.memory_space<vmem_shared>> -> memref<128x128xbf16, #tpu.memory_space<vmem_shared>>
      %dma_start3A_279 = arith.constant 0 : i32
      %dma_start3A_280 = arith.constant 0 : i32
      %dma_start3A_281 = tpu.memref_slice %arg9[%run_scoped3A_20, %dma_start3A_279, %dma_start3A_280] : memref<8x128x128xbf16, #tpu.memory_space<vmem>> -> memref<1x128x128xbf16, #tpu.memory_space<vmem>>
      %dma_start3A_282 = tpu.memref_squeeze %dma_start3A_281 : memref<1x128x128xbf16, #tpu.memory_space<vmem>> -> memref<128x128xbf16, #tpu.memory_space<vmem>>
      tpu.enqueue_dma source(%dma_start3A_282 : memref<128x128xbf16, #tpu.memory_space<vmem>>) target(%dma_start3A_278 : memref<128x128xbf16, #tpu.memory_space<vmem_shared>>) target_semaphore(%run_scoped3A_271 : memref<!tpu.dma_semaphore, #tpu.memory_space<semaphore_mem>>)
      %dma_wait3A_283 = arith.constant 0 : i32
      %dma_wait3A_284 = arith.constant 0 : i32
      %dma_wait3A_285 = tpu.memref_slice %arg9[%run_scoped3A_20, %dma_wait3A_283, %dma_wait3A_284] : memref<8x128x128xbf16, #tpu.memory_space<vmem>> -> memref<1x128x128xbf16, #tpu.memory_space<vmem>>
      %dma_wait3A_286 = tpu.memref_squeeze %dma_wait3A_285 : memref<1x128x128xbf16, #tpu.memory_space<vmem>> -> memref<128x128xbf16, #tpu.memory_space<vmem>>
      %dma_wait3A_287 = arith.constant 0 : i32
      %dma_wait3A_288 = tpu.memref_slice %arg10[%add3A_19, %dma_wait3A_287] : memref<10240x128xbf16, #tpu.memory_space<vmem_shared>> -> memref<128x128xbf16, #tpu.memory_space<vmem_shared>>
      %dma_wait3A_289 = arith.constant 0 : i32
      %dma_wait3A_290 = tpu.memref_slice %arg10[%add3A_19, %dma_wait3A_289] : memref<10240x128xbf16, #tpu.memory_space<vmem_shared>> -> memref<128x128xbf16, #tpu.memory_space<vmem_shared>>
      %dma_wait3A_291 = arith.constant 0 : i32
      %dma_wait3A_292 = arith.constant 0 : i32
      %dma_wait3A_293 = tpu.memref_slice %arg9[%run_scoped3A_20, %dma_wait3A_291, %dma_wait3A_292] : memref<8x128x128xbf16, #tpu.memory_space<vmem>> -> memref<1x128x128xbf16, #tpu.memory_space<vmem>>
      %dma_wait3A_294 = tpu.memref_squeeze %dma_wait3A_293 : memref<1x128x128xbf16, #tpu.memory_space<vmem>> -> memref<128x128xbf16, #tpu.memory_space<vmem>>
      tpu.wait_dma2 semaphore(%run_scoped3A_271 : memref<!tpu.dma_semaphore, #tpu.memory_space<semaphore_mem>>) src(%dma_wait3A_294 : memref<128x128xbf16, #tpu.memory_space<vmem>>) dst(%dma_wait3A_290 : memref<128x128xbf16, #tpu.memory_space<vmem_shared>>)
      tpu.yield
    }) : () -> ()
    %mul3A_21 = arith.constant 640 : i32
    %mul3A_22 = arith.muli %arg1, %mul3A_21 : i32
    %add3A_23 = arith.constant 384 : i32
    %add3A_24 = arith.addi %mul3A_22, %add3A_23 : i32
    %run_scoped3A_25 = arith.constant 0 : i32
    "tpu.region"() ({
      %run_scoped3A_271 = tpu.sem_alloc : memref<!tpu.dma_semaphore, #tpu.memory_space<semaphore_mem>>
      %dma_start3A = arith.constant 0 : i32
      %dma_start3A_272 = arith.constant 0 : i32
      %dma_start3A_273 = tpu.memref_slice %arg9[%run_scoped3A_25, %dma_start3A, %dma_start3A_272] : memref<8x128x128xbf16, #tpu.memory_space<vmem>> -> memref<1x128x128xbf16, #tpu.memory_space<vmem>>
      %dma_start3A_274 = tpu.memref_squeeze %dma_start3A_273 : memref<1x128x128xbf16, #tpu.memory_space<vmem>> -> memref<128x128xbf16, #tpu.memory_space<vmem>>
      %dma_start3A_275 = arith.constant 0 : i32
      %dma_start3A_276 = tpu.memref_slice %arg10[%add3A_24, %dma_start3A_275] : memref<10240x128xbf16, #tpu.memory_space<vmem_shared>> -> memref<128x128xbf16, #tpu.memory_space<vmem_shared>>
      %dma_start3A_277 = arith.constant 0 : i32
      %dma_start3A_278 = tpu.memref_slice %arg10[%add3A_24, %dma_start3A_277] : memref<10240x128xbf16, #tpu.memory_space<vmem_shared>> -> memref<128x128xbf16, #tpu.memory_space<vmem_shared>>
      %dma_start3A_279 = arith.constant 0 : i32
      %dma_start3A_280 = arith.constant 0 : i32
      %dma_start3A_281 = tpu.memref_slice %arg9[%run_scoped3A_25, %dma_start3A_279, %dma_start3A_280] : memref<8x128x128xbf16, #tpu.memory_space<vmem>> -> memref<1x128x128xbf16, #tpu.memory_space<vmem>>
      %dma_start3A_282 = tpu.memref_squeeze %dma_start3A_281 : memref<1x128x128xbf16, #tpu.memory_space<vmem>> -> memref<128x128xbf16, #tpu.memory_space<vmem>>
      tpu.enqueue_dma source(%dma_start3A_282 : memref<128x128xbf16, #tpu.memory_space<vmem>>) target(%dma_start3A_278 : memref<128x128xbf16, #tpu.memory_space<vmem_shared>>) target_semaphore(%run_scoped3A_271 : memref<!tpu.dma_semaphore, #tpu.memory_space<semaphore_mem>>)
      %dma_wait3A_283 = arith.constant 0 : i32
      %dma_wait3A_284 = arith.constant 0 : i32
      %dma_wait3A_285 = tpu.memref_slice %arg9[%run_scoped3A_25, %dma_wait3A_283, %dma_wait3A_284] : memref<8x128x128xbf16, #tpu.memory_space<vmem>> -> memref<1x128x128xbf16, #tpu.memory_space<vmem>>
      %dma_wait3A_286 = tpu.memref_squeeze %dma_wait3A_285 : memref<1x128x128xbf16, #tpu.memory_space<vmem>> -> memref<128x128xbf16, #tpu.memory_space<vmem>>
      %dma_wait3A_287 = arith.constant 0 : i32
      %dma_wait3A_288 = tpu.memref_slice %arg10[%add3A_24, %dma_wait3A_287] : memref<10240x128xbf16, #tpu.memory_space<vmem_shared>> -> memref<128x128xbf16, #tpu.memory_space<vmem_shared>>
      %dma_wait3A_289 = arith.constant 0 : i32
      %dma_wait3A_290 = tpu.memref_slice %arg10[%add3A_24, %dma_wait3A_289] : memref<10240x128xbf16, #tpu.memory_space<vmem_shared>> -> memref<128x128xbf16, #tpu.memory_space<vmem_shared>>
      %dma_wait3A_291 = arith.constant 0 : i32
      %dma_wait3A_292 = arith.constant 0 : i32
      %dma_wait3A_293 = tpu.memref_slice %arg9[%run_scoped3A_25, %dma_wait3A_291, %dma_wait3A_292] : memref<8x128x128xbf16, #tpu.memory_space<vmem>> -> memref<1x128x128xbf16, #tpu.memory_space<vmem>>
      %dma_wait3A_294 = tpu.memref_squeeze %dma_wait3A_293 : memref<1x128x128xbf16, #tpu.memory_space<vmem>> -> memref<128x128xbf16, #tpu.memory_space<vmem>>
      tpu.wait_dma2 semaphore(%run_scoped3A_271 : memref<!tpu.dma_semaphore, #tpu.memory_space<semaphore_mem>>) src(%dma_wait3A_294 : memref<128x128xbf16, #tpu.memory_space<vmem>>) dst(%dma_wait3A_290 : memref<128x128xbf16, #tpu.memory_space<vmem_shared>>)
      tpu.yield
    }) : () -> ()
    %mul3A_26 = arith.constant 640 : i32
    %mul3A_27 = arith.muli %arg1, %mul3A_26 : i32
    %add3A_28 = arith.constant 512 : i32
    %add3A_29 = arith.addi %mul3A_27, %add3A_28 : i32
    %run_scoped3A_30 = arith.constant 0 : i32
    "tpu.region"() ({
      %run_scoped3A_271 = tpu.sem_alloc : memref<!tpu.dma_semaphore, #tpu.memory_space<semaphore_mem>>
      %dma_start3A = arith.constant 0 : i32
      %dma_start3A_272 = arith.constant 0 : i32
      %dma_start3A_273 = tpu.memref_slice %arg9[%run_scoped3A_30, %dma_start3A, %dma_start3A_272] : memref<8x128x128xbf16, #tpu.memory_space<vmem>> -> memref<1x128x128xbf16, #tpu.memory_space<vmem>>
      %dma_start3A_274 = tpu.memref_squeeze %dma_start3A_273 : memref<1x128x128xbf16, #tpu.memory_space<vmem>> -> memref<128x128xbf16, #tpu.memory_space<vmem>>
      %dma_start3A_275 = arith.constant 0 : i32
      %dma_start3A_276 = tpu.memref_slice %arg10[%add3A_29, %dma_start3A_275] : memref<10240x128xbf16, #tpu.memory_space<vmem_shared>> -> memref<128x128xbf16, #tpu.memory_space<vmem_shared>>
      %dma_start3A_277 = arith.constant 0 : i32
      %dma_start3A_278 = tpu.memref_slice %arg10[%add3A_29, %dma_start3A_277] : memref<10240x128xbf16, #tpu.memory_space<vmem_shared>> -> memref<128x128xbf16, #tpu.memory_space<vmem_shared>>
      %dma_start3A_279 = arith.constant 0 : i32
      %dma_start3A_280 = arith.constant 0 : i32
      %dma_start3A_281 = tpu.memref_slice %arg9[%run_scoped3A_30, %dma_start3A_279, %dma_start3A_280] : memref<8x128x128xbf16, #tpu.memory_space<vmem>> -> memref<1x128x128xbf16, #tpu.memory_space<vmem>>
      %dma_start3A_282 = tpu.memref_squeeze %dma_start3A_281 : memref<1x128x128xbf16, #tpu.memory_space<vmem>> -> memref<128x128xbf16, #tpu.memory_space<vmem>>
      tpu.enqueue_dma source(%dma_start3A_282 : memref<128x128xbf16, #tpu.memory_space<vmem>>) target(%dma_start3A_278 : memref<128x128xbf16, #tpu.memory_space<vmem_shared>>) target_semaphore(%run_scoped3A_271 : memref<!tpu.dma_semaphore, #tpu.memory_space<semaphore_mem>>)
      %dma_wait3A_283 = arith.constant 0 : i32
      %dma_wait3A_284 = arith.constant 0 : i32
      %dma_wait3A_285 = tpu.memref_slice %arg9[%run_scoped3A_30, %dma_wait3A_283, %dma_wait3A_284] : memref<8x128x128xbf16, #tpu.memory_space<vmem>> -> memref<1x128x128xbf16, #tpu.memory_space<vmem>>
      %dma_wait3A_286 = tpu.memref_squeeze %dma_wait3A_285 : memref<1x128x128xbf16, #tpu.memory_space<vmem>> -> memref<128x128xbf16, #tpu.memory_space<vmem>>
      %dma_wait3A_287 = arith.constant 0 : i32
      %dma_wait3A_288 = tpu.memref_slice %arg10[%add3A_29, %dma_wait3A_287] : memref<10240x128xbf16, #tpu.memory_space<vmem_shared>> -> memref<128x128xbf16, #tpu.memory_space<vmem_shared>>
      %dma_wait3A_289 = arith.constant 0 : i32
      %dma_wait3A_290 = tpu.memref_slice %arg10[%add3A_29, %dma_wait3A_289] : memref<10240x128xbf16, #tpu.memory_space<vmem_shared>> -> memref<128x128xbf16, #tpu.memory_space<vmem_shared>>
      %dma_wait3A_291 = arith.constant 0 : i32
      %dma_wait3A_292 = arith.constant 0 : i32
      %dma_wait3A_293 = tpu.memref_slice %arg9[%run_scoped3A_30, %dma_wait3A_291, %dma_wait3A_292] : memref<8x128x128xbf16, #tpu.memory_space<vmem>> -> memref<1x128x128xbf16, #tpu.memory_space<vmem>>
      %dma_wait3A_294 = tpu.memref_squeeze %dma_wait3A_293 : memref<1x128x128xbf16, #tpu.memory_space<vmem>> -> memref<128x128xbf16, #tpu.memory_space<vmem>>
      tpu.wait_dma2 semaphore(%run_scoped3A_271 : memref<!tpu.dma_semaphore, #tpu.memory_space<semaphore_mem>>) src(%dma_wait3A_294 : memref<128x128xbf16, #tpu.memory_space<vmem>>) dst(%dma_wait3A_290 : memref<128x128xbf16, #tpu.memory_space<vmem_shared>>)
      tpu.yield
    }) : () -> ()
    %barrier3A = arith.constant 0 : index
    tpu.barrier barrier_id(%barrier3A)
    %eq3A = arith.constant 0 : i32
    %eq3A_31 = arith.cmpi eq, %arg0, %eq3A : i32
    %convert_element_type3A = arith.extui %eq3A_31 : i1 to i32
    %cond3A = arith.constant 0 : i32
    %cond3A_32 = arith.cmpi ne, %convert_element_type3A, %cond3A : i32
    scf.if %cond3A_32 {
      %dma_start3A = arith.constant 0 : i32
      %dma_start3A_271 = arith.constant 0 : i32
      %dma_start3A_272 = arith.constant 0 : i32
      %dma_start3A_273 = arith.constant 0 : i32
      %dma_start3A_274 = arith.constant 0 : i32
      %dma_start3A_275 = tpu.memref_slice %arg9[%dma_start3A_271, %dma_start3A_273, %dma_start3A_274] : memref<8x128x128xbf16, #tpu.memory_space<vmem>> -> memref<1x128x128xbf16, #tpu.memory_space<vmem>>
      %dma_start3A_276 = tpu.memref_squeeze %dma_start3A_275 : memref<1x128x128xbf16, #tpu.memory_space<vmem>> -> memref<128x128xbf16, #tpu.memory_space<vmem>>
      %dma_start3A_277 = arith.constant 0 : i32
      %dma_start3A_278 = tpu.memref_slice %arg7[%dma_start3A, %dma_start3A_277] : memref<84x128xi32, #tpu.memory_space<vmem>> -> memref<1x128xi32, #tpu.memory_space<vmem>>
      %dma_start3A_279 = tpu.memref_squeeze %dma_start3A_278 : memref<1x128xi32, #tpu.memory_space<vmem>> -> memref<128xi32, #tpu.memory_space<vmem>>
      %dma_start3A_280 = arith.constant 0 : i32
      %dma_start3A_281 = arith.constant 0 : i32
      %dma_start3A_282 = tpu.memref_slice %arg3[%dma_start3A_280, %dma_start3A_281] : memref<10240x128xbf16, #tpu.memory_space<hbm>> -> memref<10240x128xbf16, #tpu.memory_space<hbm>>
      %dma_start3A_283 = tpu.memref_slice %arg11[%dma_start3A_272] : memref<8x!tpu.dma_semaphore, #tpu.memory_space<semaphore_mem>> -> memref<1x!tpu.dma_semaphore, #tpu.memory_space<semaphore_mem>>
      %dma_start3A_284 = tpu.memref_squeeze %dma_start3A_283 : memref<1x!tpu.dma_semaphore, #tpu.memory_space<semaphore_mem>> -> memref<!tpu.dma_semaphore, #tpu.memory_space<semaphore_mem>>
      tpu.enqueue_indirect_dma source(%dma_start3A_282 : memref<10240x128xbf16, #tpu.memory_space<hbm>>) target(%dma_start3A_276 : memref<128x128xbf16, #tpu.memory_space<vmem>>) offsets(%dma_start3A_279 : memref<128xi32, #tpu.memory_space<vmem>>) semaphore(%dma_start3A_284 : memref<!tpu.dma_semaphore, #tpu.memory_space<semaphore_mem>>)
    } else {
    }
    %eq3A_33 = arith.constant 1 : i32
    %eq3A_34 = arith.cmpi eq, %arg0, %eq3A_33 : i32
    %convert_element_type3A_35 = arith.extui %eq3A_34 : i1 to i32
    %cond3A_36 = arith.constant 0 : i32
    %cond3A_37 = arith.cmpi ne, %convert_element_type3A_35, %cond3A_36 : i32
    scf.if %cond3A_37 {
      %dma_start3A = arith.constant 0 : i32
      %dma_start3A_271 = arith.constant 0 : i32
      %dma_start3A_272 = arith.constant 0 : i32
      %dma_start3A_273 = arith.constant 0 : i32
      %dma_start3A_274 = arith.constant 0 : i32
      %dma_start3A_275 = tpu.memref_slice %arg9[%dma_start3A_271, %dma_start3A_273, %dma_start3A_274] : memref<8x128x128xbf16, #tpu.memory_space<vmem>> -> memref<1x128x128xbf16, #tpu.memory_space<vmem>>
      %dma_start3A_276 = tpu.memref_squeeze %dma_start3A_275 : memref<1x128x128xbf16, #tpu.memory_space<vmem>> -> memref<128x128xbf16, #tpu.memory_space<vmem>>
      %dma_start3A_277 = arith.constant 0 : i32
      %dma_start3A_278 = tpu.memref_slice %arg7[%dma_start3A, %dma_start3A_277] : memref<84x128xi32, #tpu.memory_space<vmem>> -> memref<1x128xi32, #tpu.memory_space<vmem>>
      %dma_start3A_279 = tpu.memref_squeeze %dma_start3A_278 : memref<1x128xi32, #tpu.memory_space<vmem>> -> memref<128xi32, #tpu.memory_space<vmem>>
      %dma_start3A_280 = arith.constant 0 : i32
      %dma_start3A_281 = arith.constant 0 : i32
      %dma_start3A_282 = tpu.memref_slice %arg4[%dma_start3A_280, %dma_start3A_281] : memref<10240x128xbf16, #tpu.memory_space<hbm>> -> memref<10240x128xbf16, #tpu.memory_space<hbm>>
      %dma_start3A_283 = tpu.memref_slice %arg11[%dma_start3A_272] : memref<8x!tpu.dma_semaphore, #tpu.memory_space<semaphore_mem>> -> memref<1x!tpu.dma_semaphore, #tpu.memory_space<semaphore_mem>>
      %dma_start3A_284 = tpu.memref_squeeze %dma_start3A_283 : memref<1x!tpu.dma_semaphore, #tpu.memory_space<semaphore_mem>> -> memref<!tpu.dma_semaphore, #tpu.memory_space<semaphore_mem>>
      tpu.enqueue_indirect_dma source(%dma_start3A_282 : memref<10240x128xbf16, #tpu.memory_space<hbm>>) target(%dma_start3A_276 : memref<128x128xbf16, #tpu.memory_space<vmem>>) offsets(%dma_start3A_279 : memref<128xi32, #tpu.memory_space<vmem>>) semaphore(%dma_start3A_284 : memref<!tpu.dma_semaphore, #tpu.memory_space<semaphore_mem>>)
    } else {
    }
    %eq3A_38 = arith.constant 0 : i32
    %eq3A_39 = arith.cmpi eq, %arg0, %eq3A_38 : i32
    %convert_element_type3A_40 = arith.extui %eq3A_39 : i1 to i32
    %cond3A_41 = arith.constant 0 : i32
    %cond3A_42 = arith.cmpi ne, %convert_element_type3A_40, %cond3A_41 : i32
    scf.if %cond3A_42 {
      %dma_start3A = arith.constant 1 : i32
      %dma_start3A_271 = arith.constant 1 : i32
      %dma_start3A_272 = arith.constant 1 : i32
      %dma_start3A_273 = arith.constant 0 : i32
      %dma_start3A_274 = arith.constant 0 : i32
      %dma_start3A_275 = tpu.memref_slice %arg9[%dma_start3A_271, %dma_start3A_273, %dma_start3A_274] : memref<8x128x128xbf16, #tpu.memory_space<vmem>> -> memref<1x128x128xbf16, #tpu.memory_space<vmem>>
      %dma_start3A_276 = tpu.memref_squeeze %dma_start3A_275 : memref<1x128x128xbf16, #tpu.memory_space<vmem>> -> memref<128x128xbf16, #tpu.memory_space<vmem>>
      %dma_start3A_277 = arith.constant 0 : i32
      %dma_start3A_278 = tpu.memref_slice %arg7[%dma_start3A, %dma_start3A_277] : memref<84x128xi32, #tpu.memory_space<vmem>> -> memref<1x128xi32, #tpu.memory_space<vmem>>
      %dma_start3A_279 = tpu.memref_squeeze %dma_start3A_278 : memref<1x128xi32, #tpu.memory_space<vmem>> -> memref<128xi32, #tpu.memory_space<vmem>>
      %dma_start3A_280 = arith.constant 0 : i32
      %dma_start3A_281 = arith.constant 0 : i32
      %dma_start3A_282 = tpu.memref_slice %arg3[%dma_start3A_280, %dma_start3A_281] : memref<10240x128xbf16, #tpu.memory_space<hbm>> -> memref<10240x128xbf16, #tpu.memory_space<hbm>>
      %dma_start3A_283 = tpu.memref_slice %arg11[%dma_start3A_272] : memref<8x!tpu.dma_semaphore, #tpu.memory_space<semaphore_mem>> -> memref<1x!tpu.dma_semaphore, #tpu.memory_space<semaphore_mem>>
      %dma_start3A_284 = tpu.memref_squeeze %dma_start3A_283 : memref<1x!tpu.dma_semaphore, #tpu.memory_space<semaphore_mem>> -> memref<!tpu.dma_semaphore, #tpu.memory_space<semaphore_mem>>
      tpu.enqueue_indirect_dma source(%dma_start3A_282 : memref<10240x128xbf16, #tpu.memory_space<hbm>>) target(%dma_start3A_276 : memref<128x128xbf16, #tpu.memory_space<vmem>>) offsets(%dma_start3A_279 : memref<128xi32, #tpu.memory_space<vmem>>) semaphore(%dma_start3A_284 : memref<!tpu.dma_semaphore, #tpu.memory_space<semaphore_mem>>)
    } else {
    }
    %eq3A_43 = arith.constant 1 : i32
    %eq3A_44 = arith.cmpi eq, %arg0, %eq3A_43 : i32
    %convert_element_type3A_45 = arith.extui %eq3A_44 : i1 to i32
    %cond3A_46 = arith.constant 0 : i32
    %cond3A_47 = arith.cmpi ne, %convert_element_type3A_45, %cond3A_46 : i32
    scf.if %cond3A_47 {
      %dma_start3A = arith.constant 1 : i32
      %dma_start3A_271 = arith.constant 1 : i32
      %dma_start3A_272 = arith.constant 1 : i32
      %dma_start3A_273 = arith.constant 0 : i32
      %dma_start3A_274 = arith.constant 0 : i32
      %dma_start3A_275 = tpu.memref_slice %arg9[%dma_start3A_271, %dma_start3A_273, %dma_start3A_274] : memref<8x128x128xbf16, #tpu.memory_space<vmem>> -> memref<1x128x128xbf16, #tpu.memory_space<vmem>>
      %dma_start3A_276 = tpu.memref_squeeze %dma_start3A_275 : memref<1x128x128xbf16, #tpu.memory_space<vmem>> -> memref<128x128xbf16, #tpu.memory_space<vmem>>
      %dma_start3A_277 = arith.constant 0 : i32
      %dma_start3A_278 = tpu.memref_slice %arg7[%dma_start3A, %dma_start3A_277] : memref<84x128xi32, #tpu.memory_space<vmem>> -> memref<1x128xi32, #tpu.memory_space<vmem>>
      %dma_start3A_279 = tpu.memref_squeeze %dma_start3A_278 : memref<1x128xi32, #tpu.memory_space<vmem>> -> memref<128xi32, #tpu.memory_space<vmem>>
      %dma_start3A_280 = arith.constant 0 : i32
      %dma_start3A_281 = arith.constant 0 : i32
      %dma_start3A_282 = tpu.memref_slice %arg4[%dma_start3A_280, %dma_start3A_281] : memref<10240x128xbf16, #tpu.memory_space<hbm>> -> memref<10240x128xbf16, #tpu.memory_space<hbm>>
      %dma_start3A_283 = tpu.memref_slice %arg11[%dma_start3A_272] : memref<8x!tpu.dma_semaphore, #tpu.memory_space<semaphore_mem>> -> memref<1x!tpu.dma_semaphore, #tpu.memory_space<semaphore_mem>>
      %dma_start3A_284 = tpu.memref_squeeze %dma_start3A_283 : memref<1x!tpu.dma_semaphore, #tpu.memory_space<semaphore_mem>> -> memref<!tpu.dma_semaphore, #tpu.memory_space<semaphore_mem>>
      tpu.enqueue_indirect_dma source(%dma_start3A_282 : memref<10240x128xbf16, #tpu.memory_space<hbm>>) target(%dma_start3A_276 : memref<128x128xbf16, #tpu.memory_space<vmem>>) offsets(%dma_start3A_279 : memref<128xi32, #tpu.memory_space<vmem>>) semaphore(%dma_start3A_284 : memref<!tpu.dma_semaphore, #tpu.memory_space<semaphore_mem>>)
    } else {
    }
    %eq3A_48 = arith.constant 0 : i32
    %eq3A_49 = arith.cmpi eq, %arg0, %eq3A_48 : i32
    %convert_element_type3A_50 = arith.extui %eq3A_49 : i1 to i32
    %cond3A_51 = arith.constant 0 : i32
    %cond3A_52 = arith.cmpi ne, %convert_element_type3A_50, %cond3A_51 : i32
    scf.if %cond3A_52 {
      %dma_start3A = arith.constant 2 : i32
      %dma_start3A_271 = arith.constant 2 : i32
      %dma_start3A_272 = arith.constant 2 : i32
      %dma_start3A_273 = arith.constant 0 : i32
      %dma_start3A_274 = arith.constant 0 : i32
      %dma_start3A_275 = tpu.memref_slice %arg9[%dma_start3A_271, %dma_start3A_273, %dma_start3A_274] : memref<8x128x128xbf16, #tpu.memory_space<vmem>> -> memref<1x128x128xbf16, #tpu.memory_space<vmem>>
      %dma_start3A_276 = tpu.memref_squeeze %dma_start3A_275 : memref<1x128x128xbf16, #tpu.memory_space<vmem>> -> memref<128x128xbf16, #tpu.memory_space<vmem>>
      %dma_start3A_277 = arith.constant 0 : i32
      %dma_start3A_278 = tpu.memref_slice %arg7[%dma_start3A, %dma_start3A_277] : memref<84x128xi32, #tpu.memory_space<vmem>> -> memref<1x128xi32, #tpu.memory_space<vmem>>
      %dma_start3A_279 = tpu.memref_squeeze %dma_start3A_278 : memref<1x128xi32, #tpu.memory_space<vmem>> -> memref<128xi32, #tpu.memory_space<vmem>>
      %dma_start3A_280 = arith.constant 0 : i32
      %dma_start3A_281 = arith.constant 0 : i32
      %dma_start3A_282 = tpu.memref_slice %arg3[%dma_start3A_280, %dma_start3A_281] : memref<10240x128xbf16, #tpu.memory_space<hbm>> -> memref<10240x128xbf16, #tpu.memory_space<hbm>>
      %dma_start3A_283 = tpu.memref_slice %arg11[%dma_start3A_272] : memref<8x!tpu.dma_semaphore, #tpu.memory_space<semaphore_mem>> -> memref<1x!tpu.dma_semaphore, #tpu.memory_space<semaphore_mem>>
      %dma_start3A_284 = tpu.memref_squeeze %dma_start3A_283 : memref<1x!tpu.dma_semaphore, #tpu.memory_space<semaphore_mem>> -> memref<!tpu.dma_semaphore, #tpu.memory_space<semaphore_mem>>
      tpu.enqueue_indirect_dma source(%dma_start3A_282 : memref<10240x128xbf16, #tpu.memory_space<hbm>>) target(%dma_start3A_276 : memref<128x128xbf16, #tpu.memory_space<vmem>>) offsets(%dma_start3A_279 : memref<128xi32, #tpu.memory_space<vmem>>) semaphore(%dma_start3A_284 : memref<!tpu.dma_semaphore, #tpu.memory_space<semaphore_mem>>)
    } else {
    }
    %eq3A_53 = arith.constant 1 : i32
    %eq3A_54 = arith.cmpi eq, %arg0, %eq3A_53 : i32
    %convert_element_type3A_55 = arith.extui %eq3A_54 : i1 to i32
    %cond3A_56 = arith.constant 0 : i32
    %cond3A_57 = arith.cmpi ne, %convert_element_type3A_55, %cond3A_56 : i32
    scf.if %cond3A_57 {
      %dma_start3A = arith.constant 2 : i32
      %dma_start3A_271 = arith.constant 2 : i32
      %dma_start3A_272 = arith.constant 2 : i32
      %dma_start3A_273 = arith.constant 0 : i32
      %dma_start3A_274 = arith.constant 0 : i32
      %dma_start3A_275 = tpu.memref_slice %arg9[%dma_start3A_271, %dma_start3A_273, %dma_start3A_274] : memref<8x128x128xbf16, #tpu.memory_space<vmem>> -> memref<1x128x128xbf16, #tpu.memory_space<vmem>>
      %dma_start3A_276 = tpu.memref_squeeze %dma_start3A_275 : memref<1x128x128xbf16, #tpu.memory_space<vmem>> -> memref<128x128xbf16, #tpu.memory_space<vmem>>
      %dma_start3A_277 = arith.constant 0 : i32
      %dma_start3A_278 = tpu.memref_slice %arg7[%dma_start3A, %dma_start3A_277] : memref<84x128xi32, #tpu.memory_space<vmem>> -> memref<1x128xi32, #tpu.memory_space<vmem>>
      %dma_start3A_279 = tpu.memref_squeeze %dma_start3A_278 : memref<1x128xi32, #tpu.memory_space<vmem>> -> memref<128xi32, #tpu.memory_space<vmem>>
      %dma_start3A_280 = arith.constant 0 : i32
      %dma_start3A_281 = arith.constant 0 : i32
      %dma_start3A_282 = tpu.memref_slice %arg4[%dma_start3A_280, %dma_start3A_281] : memref<10240x128xbf16, #tpu.memory_space<hbm>> -> memref<10240x128xbf16, #tpu.memory_space<hbm>>
      %dma_start3A_283 = tpu.memref_slice %arg11[%dma_start3A_272] : memref<8x!tpu.dma_semaphore, #tpu.memory_space<semaphore_mem>> -> memref<1x!tpu.dma_semaphore, #tpu.memory_space<semaphore_mem>>
      %dma_start3A_284 = tpu.memref_squeeze %dma_start3A_283 : memref<1x!tpu.dma_semaphore, #tpu.memory_space<semaphore_mem>> -> memref<!tpu.dma_semaphore, #tpu.memory_space<semaphore_mem>>
      tpu.enqueue_indirect_dma source(%dma_start3A_282 : memref<10240x128xbf16, #tpu.memory_space<hbm>>) target(%dma_start3A_276 : memref<128x128xbf16, #tpu.memory_space<vmem>>) offsets(%dma_start3A_279 : memref<128xi32, #tpu.memory_space<vmem>>) semaphore(%dma_start3A_284 : memref<!tpu.dma_semaphore, #tpu.memory_space<semaphore_mem>>)
    } else {
    }
    %eq3A_58 = arith.constant 0 : i32
    %eq3A_59 = arith.cmpi eq, %arg0, %eq3A_58 : i32
    %convert_element_type3A_60 = arith.extui %eq3A_59 : i1 to i32
    %cond3A_61 = arith.constant 0 : i32
    %cond3A_62 = arith.cmpi ne, %convert_element_type3A_60, %cond3A_61 : i32
    scf.if %cond3A_62 {
      %dma_start3A = arith.constant 3 : i32
      %dma_start3A_271 = arith.constant 3 : i32
      %dma_start3A_272 = arith.constant 3 : i32
      %dma_start3A_273 = arith.constant 0 : i32
      %dma_start3A_274 = arith.constant 0 : i32
      %dma_start3A_275 = tpu.memref_slice %arg9[%dma_start3A_271, %dma_start3A_273, %dma_start3A_274] : memref<8x128x128xbf16, #tpu.memory_space<vmem>> -> memref<1x128x128xbf16, #tpu.memory_space<vmem>>
      %dma_start3A_276 = tpu.memref_squeeze %dma_start3A_275 : memref<1x128x128xbf16, #tpu.memory_space<vmem>> -> memref<128x128xbf16, #tpu.memory_space<vmem>>
      %dma_start3A_277 = arith.constant 0 : i32
      %dma_start3A_278 = tpu.memref_slice %arg7[%dma_start3A, %dma_start3A_277] : memref<84x128xi32, #tpu.memory_space<vmem>> -> memref<1x128xi32, #tpu.memory_space<vmem>>
      %dma_start3A_279 = tpu.memref_squeeze %dma_start3A_278 : memref<1x128xi32, #tpu.memory_space<vmem>> -> memref<128xi32, #tpu.memory_space<vmem>>
      %dma_start3A_280 = arith.constant 0 : i32
      %dma_start3A_281 = arith.constant 0 : i32
      %dma_start3A_282 = tpu.memref_slice %arg3[%dma_start3A_280, %dma_start3A_281] : memref<10240x128xbf16, #tpu.memory_space<hbm>> -> memref<10240x128xbf16, #tpu.memory_space<hbm>>
      %dma_start3A_283 = tpu.memref_slice %arg11[%dma_start3A_272] : memref<8x!tpu.dma_semaphore, #tpu.memory_space<semaphore_mem>> -> memref<1x!tpu.dma_semaphore, #tpu.memory_space<semaphore_mem>>
      %dma_start3A_284 = tpu.memref_squeeze %dma_start3A_283 : memref<1x!tpu.dma_semaphore, #tpu.memory_space<semaphore_mem>> -> memref<!tpu.dma_semaphore, #tpu.memory_space<semaphore_mem>>
      tpu.enqueue_indirect_dma source(%dma_start3A_282 : memref<10240x128xbf16, #tpu.memory_space<hbm>>) target(%dma_start3A_276 : memref<128x128xbf16, #tpu.memory_space<vmem>>) offsets(%dma_start3A_279 : memref<128xi32, #tpu.memory_space<vmem>>) semaphore(%dma_start3A_284 : memref<!tpu.dma_semaphore, #tpu.memory_space<semaphore_mem>>)
    } else {
    }
    %eq3A_63 = arith.constant 1 : i32
    %eq3A_64 = arith.cmpi eq, %arg0, %eq3A_63 : i32
    %convert_element_type3A_65 = arith.extui %eq3A_64 : i1 to i32
    %cond3A_66 = arith.constant 0 : i32
    %cond3A_67 = arith.cmpi ne, %convert_element_type3A_65, %cond3A_66 : i32
    scf.if %cond3A_67 {
      %dma_start3A = arith.constant 3 : i32
      %dma_start3A_271 = arith.constant 3 : i32
      %dma_start3A_272 = arith.constant 3 : i32
      %dma_start3A_273 = arith.constant 0 : i32
      %dma_start3A_274 = arith.constant 0 : i32
      %dma_start3A_275 = tpu.memref_slice %arg9[%dma_start3A_271, %dma_start3A_273, %dma_start3A_274] : memref<8x128x128xbf16, #tpu.memory_space<vmem>> -> memref<1x128x128xbf16, #tpu.memory_space<vmem>>
      %dma_start3A_276 = tpu.memref_squeeze %dma_start3A_275 : memref<1x128x128xbf16, #tpu.memory_space<vmem>> -> memref<128x128xbf16, #tpu.memory_space<vmem>>
      %dma_start3A_277 = arith.constant 0 : i32
      %dma_start3A_278 = tpu.memref_slice %arg7[%dma_start3A, %dma_start3A_277] : memref<84x128xi32, #tpu.memory_space<vmem>> -> memref<1x128xi32, #tpu.memory_space<vmem>>
      %dma_start3A_279 = tpu.memref_squeeze %dma_start3A_278 : memref<1x128xi32, #tpu.memory_space<vmem>> -> memref<128xi32, #tpu.memory_space<vmem>>
      %dma_start3A_280 = arith.constant 0 : i32
      %dma_start3A_281 = arith.constant 0 : i32
      %dma_start3A_282 = tpu.memref_slice %arg4[%dma_start3A_280, %dma_start3A_281] : memref<10240x128xbf16, #tpu.memory_space<hbm>> -> memref<10240x128xbf16, #tpu.memory_space<hbm>>
      %dma_start3A_283 = tpu.memref_slice %arg11[%dma_start3A_272] : memref<8x!tpu.dma_semaphore, #tpu.memory_space<semaphore_mem>> -> memref<1x!tpu.dma_semaphore, #tpu.memory_space<semaphore_mem>>
      %dma_start3A_284 = tpu.memref_squeeze %dma_start3A_283 : memref<1x!tpu.dma_semaphore, #tpu.memory_space<semaphore_mem>> -> memref<!tpu.dma_semaphore, #tpu.memory_space<semaphore_mem>>
      tpu.enqueue_indirect_dma source(%dma_start3A_282 : memref<10240x128xbf16, #tpu.memory_space<hbm>>) target(%dma_start3A_276 : memref<128x128xbf16, #tpu.memory_space<vmem>>) offsets(%dma_start3A_279 : memref<128xi32, #tpu.memory_space<vmem>>) semaphore(%dma_start3A_284 : memref<!tpu.dma_semaphore, #tpu.memory_space<semaphore_mem>>)
    } else {
    }
    %eq3A_68 = arith.constant 0 : i32
    %eq3A_69 = arith.cmpi eq, %arg0, %eq3A_68 : i32
    %convert_element_type3A_70 = arith.extui %eq3A_69 : i1 to i32
    %cond3A_71 = arith.constant 0 : i32
    %cond3A_72 = arith.cmpi ne, %convert_element_type3A_70, %cond3A_71 : i32
    scf.if %cond3A_72 {
      %dma_start3A = arith.constant 4 : i32
      %dma_start3A_271 = arith.constant 4 : i32
      %dma_start3A_272 = arith.constant 4 : i32
      %dma_start3A_273 = arith.constant 0 : i32
      %dma_start3A_274 = arith.constant 0 : i32
      %dma_start3A_275 = tpu.memref_slice %arg9[%dma_start3A_271, %dma_start3A_273, %dma_start3A_274] : memref<8x128x128xbf16, #tpu.memory_space<vmem>> -> memref<1x128x128xbf16, #tpu.memory_space<vmem>>
      %dma_start3A_276 = tpu.memref_squeeze %dma_start3A_275 : memref<1x128x128xbf16, #tpu.memory_space<vmem>> -> memref<128x128xbf16, #tpu.memory_space<vmem>>
      %dma_start3A_277 = arith.constant 0 : i32
      %dma_start3A_278 = tpu.memref_slice %arg7[%dma_start3A, %dma_start3A_277] : memref<84x128xi32, #tpu.memory_space<vmem>> -> memref<1x128xi32, #tpu.memory_space<vmem>>
      %dma_start3A_279 = tpu.memref_squeeze %dma_start3A_278 : memref<1x128xi32, #tpu.memory_space<vmem>> -> memref<128xi32, #tpu.memory_space<vmem>>
      %dma_start3A_280 = arith.constant 0 : i32
      %dma_start3A_281 = arith.constant 0 : i32
      %dma_start3A_282 = tpu.memref_slice %arg3[%dma_start3A_280, %dma_start3A_281] : memref<10240x128xbf16, #tpu.memory_space<hbm>> -> memref<10240x128xbf16, #tpu.memory_space<hbm>>
      %dma_start3A_283 = tpu.memref_slice %arg11[%dma_start3A_272] : memref<8x!tpu.dma_semaphore, #tpu.memory_space<semaphore_mem>> -> memref<1x!tpu.dma_semaphore, #tpu.memory_space<semaphore_mem>>
      %dma_start3A_284 = tpu.memref_squeeze %dma_start3A_283 : memref<1x!tpu.dma_semaphore, #tpu.memory_space<semaphore_mem>> -> memref<!tpu.dma_semaphore, #tpu.memory_space<semaphore_mem>>
      tpu.enqueue_indirect_dma source(%dma_start3A_282 : memref<10240x128xbf16, #tpu.memory_space<hbm>>) target(%dma_start3A_276 : memref<128x128xbf16, #tpu.memory_space<vmem>>) offsets(%dma_start3A_279 : memref<128xi32, #tpu.memory_space<vmem>>) semaphore(%dma_start3A_284 : memref<!tpu.dma_semaphore, #tpu.memory_space<semaphore_mem>>)
    } else {
    }
    %eq3A_73 = arith.constant 1 : i32
    %eq3A_74 = arith.cmpi eq, %arg0, %eq3A_73 : i32
    %convert_element_type3A_75 = arith.extui %eq3A_74 : i1 to i32
    %cond3A_76 = arith.constant 0 : i32
    %cond3A_77 = arith.cmpi ne, %convert_element_type3A_75, %cond3A_76 : i32
    scf.if %cond3A_77 {
      %dma_start3A = arith.constant 4 : i32
      %dma_start3A_271 = arith.constant 4 : i32
      %dma_start3A_272 = arith.constant 4 : i32
      %dma_start3A_273 = arith.constant 0 : i32
      %dma_start3A_274 = arith.constant 0 : i32
      %dma_start3A_275 = tpu.memref_slice %arg9[%dma_start3A_271, %dma_start3A_273, %dma_start3A_274] : memref<8x128x128xbf16, #tpu.memory_space<vmem>> -> memref<1x128x128xbf16, #tpu.memory_space<vmem>>
      %dma_start3A_276 = tpu.memref_squeeze %dma_start3A_275 : memref<1x128x128xbf16, #tpu.memory_space<vmem>> -> memref<128x128xbf16, #tpu.memory_space<vmem>>
      %dma_start3A_277 = arith.constant 0 : i32
      %dma_start3A_278 = tpu.memref_slice %arg7[%dma_start3A, %dma_start3A_277] : memref<84x128xi32, #tpu.memory_space<vmem>> -> memref<1x128xi32, #tpu.memory_space<vmem>>
      %dma_start3A_279 = tpu.memref_squeeze %dma_start3A_278 : memref<1x128xi32, #tpu.memory_space<vmem>> -> memref<128xi32, #tpu.memory_space<vmem>>
      %dma_start3A_280 = arith.constant 0 : i32
      %dma_start3A_281 = arith.constant 0 : i32
      %dma_start3A_282 = tpu.memref_slice %arg4[%dma_start3A_280, %dma_start3A_281] : memref<10240x128xbf16, #tpu.memory_space<hbm>> -> memref<10240x128xbf16, #tpu.memory_space<hbm>>
      %dma_start3A_283 = tpu.memref_slice %arg11[%dma_start3A_272] : memref<8x!tpu.dma_semaphore, #tpu.memory_space<semaphore_mem>> -> memref<1x!tpu.dma_semaphore, #tpu.memory_space<semaphore_mem>>
      %dma_start3A_284 = tpu.memref_squeeze %dma_start3A_283 : memref<1x!tpu.dma_semaphore, #tpu.memory_space<semaphore_mem>> -> memref<!tpu.dma_semaphore, #tpu.memory_space<semaphore_mem>>
      tpu.enqueue_indirect_dma source(%dma_start3A_282 : memref<10240x128xbf16, #tpu.memory_space<hbm>>) target(%dma_start3A_276 : memref<128x128xbf16, #tpu.memory_space<vmem>>) offsets(%dma_start3A_279 : memref<128xi32, #tpu.memory_space<vmem>>) semaphore(%dma_start3A_284 : memref<!tpu.dma_semaphore, #tpu.memory_space<semaphore_mem>>)
    } else {
    }
    %eq3A_78 = arith.constant 0 : i32
    %eq3A_79 = arith.cmpi eq, %arg0, %eq3A_78 : i32
    %convert_element_type3A_80 = arith.extui %eq3A_79 : i1 to i32
    %cond3A_81 = arith.constant 0 : i32
    %cond3A_82 = arith.cmpi ne, %convert_element_type3A_80, %cond3A_81 : i32
    scf.if %cond3A_82 {
      %dma_start3A = arith.constant 5 : i32
      %dma_start3A_271 = arith.constant 5 : i32
      %dma_start3A_272 = arith.constant 5 : i32
      %dma_start3A_273 = arith.constant 0 : i32
      %dma_start3A_274 = arith.constant 0 : i32
      %dma_start3A_275 = tpu.memref_slice %arg9[%dma_start3A_271, %dma_start3A_273, %dma_start3A_274] : memref<8x128x128xbf16, #tpu.memory_space<vmem>> -> memref<1x128x128xbf16, #tpu.memory_space<vmem>>
      %dma_start3A_276 = tpu.memref_squeeze %dma_start3A_275 : memref<1x128x128xbf16, #tpu.memory_space<vmem>> -> memref<128x128xbf16, #tpu.memory_space<vmem>>
      %dma_start3A_277 = arith.constant 0 : i32
      %dma_start3A_278 = tpu.memref_slice %arg7[%dma_start3A, %dma_start3A_277] : memref<84x128xi32, #tpu.memory_space<vmem>> -> memref<1x128xi32, #tpu.memory_space<vmem>>
      %dma_start3A_279 = tpu.memref_squeeze %dma_start3A_278 : memref<1x128xi32, #tpu.memory_space<vmem>> -> memref<128xi32, #tpu.memory_space<vmem>>
      %dma_start3A_280 = arith.constant 0 : i32
      %dma_start3A_281 = arith.constant 0 : i32
      %dma_start3A_282 = tpu.memref_slice %arg3[%dma_start3A_280, %dma_start3A_281] : memref<10240x128xbf16, #tpu.memory_space<hbm>> -> memref<10240x128xbf16, #tpu.memory_space<hbm>>
      %dma_start3A_283 = tpu.memref_slice %arg11[%dma_start3A_272] : memref<8x!tpu.dma_semaphore, #tpu.memory_space<semaphore_mem>> -> memref<1x!tpu.dma_semaphore, #tpu.memory_space<semaphore_mem>>
      %dma_start3A_284 = tpu.memref_squeeze %dma_start3A_283 : memref<1x!tpu.dma_semaphore, #tpu.memory_space<semaphore_mem>> -> memref<!tpu.dma_semaphore, #tpu.memory_space<semaphore_mem>>
      tpu.enqueue_indirect_dma source(%dma_start3A_282 : memref<10240x128xbf16, #tpu.memory_space<hbm>>) target(%dma_start3A_276 : memref<128x128xbf16, #tpu.memory_space<vmem>>) offsets(%dma_start3A_279 : memref<128xi32, #tpu.memory_space<vmem>>) semaphore(%dma_start3A_284 : memref<!tpu.dma_semaphore, #tpu.memory_space<semaphore_mem>>)
    } else {
    }
    %eq3A_83 = arith.constant 1 : i32
    %eq3A_84 = arith.cmpi eq, %arg0, %eq3A_83 : i32
    %convert_element_type3A_85 = arith.extui %eq3A_84 : i1 to i32
    %cond3A_86 = arith.constant 0 : i32
    %cond3A_87 = arith.cmpi ne, %convert_element_type3A_85, %cond3A_86 : i32
    scf.if %cond3A_87 {
      %dma_start3A = arith.constant 5 : i32
      %dma_start3A_271 = arith.constant 5 : i32
      %dma_start3A_272 = arith.constant 5 : i32
      %dma_start3A_273 = arith.constant 0 : i32
      %dma_start3A_274 = arith.constant 0 : i32
      %dma_start3A_275 = tpu.memref_slice %arg9[%dma_start3A_271, %dma_start3A_273, %dma_start3A_274] : memref<8x128x128xbf16, #tpu.memory_space<vmem>> -> memref<1x128x128xbf16, #tpu.memory_space<vmem>>
      %dma_start3A_276 = tpu.memref_squeeze %dma_start3A_275 : memref<1x128x128xbf16, #tpu.memory_space<vmem>> -> memref<128x128xbf16, #tpu.memory_space<vmem>>
      %dma_start3A_277 = arith.constant 0 : i32
      %dma_start3A_278 = tpu.memref_slice %arg7[%dma_start3A, %dma_start3A_277] : memref<84x128xi32, #tpu.memory_space<vmem>> -> memref<1x128xi32, #tpu.memory_space<vmem>>
      %dma_start3A_279 = tpu.memref_squeeze %dma_start3A_278 : memref<1x128xi32, #tpu.memory_space<vmem>> -> memref<128xi32, #tpu.memory_space<vmem>>
      %dma_start3A_280 = arith.constant 0 : i32
      %dma_start3A_281 = arith.constant 0 : i32
      %dma_start3A_282 = tpu.memref_slice %arg4[%dma_start3A_280, %dma_start3A_281] : memref<10240x128xbf16, #tpu.memory_space<hbm>> -> memref<10240x128xbf16, #tpu.memory_space<hbm>>
      %dma_start3A_283 = tpu.memref_slice %arg11[%dma_start3A_272] : memref<8x!tpu.dma_semaphore, #tpu.memory_space<semaphore_mem>> -> memref<1x!tpu.dma_semaphore, #tpu.memory_space<semaphore_mem>>
      %dma_start3A_284 = tpu.memref_squeeze %dma_start3A_283 : memref<1x!tpu.dma_semaphore, #tpu.memory_space<semaphore_mem>> -> memref<!tpu.dma_semaphore, #tpu.memory_space<semaphore_mem>>
      tpu.enqueue_indirect_dma source(%dma_start3A_282 : memref<10240x128xbf16, #tpu.memory_space<hbm>>) target(%dma_start3A_276 : memref<128x128xbf16, #tpu.memory_space<vmem>>) offsets(%dma_start3A_279 : memref<128xi32, #tpu.memory_space<vmem>>) semaphore(%dma_start3A_284 : memref<!tpu.dma_semaphore, #tpu.memory_space<semaphore_mem>>)
    } else {
    }
    %eq3A_88 = arith.constant 0 : i32
    %eq3A_89 = arith.cmpi eq, %arg0, %eq3A_88 : i32
    %convert_element_type3A_90 = arith.extui %eq3A_89 : i1 to i32
    %cond3A_91 = arith.constant 0 : i32
    %cond3A_92 = arith.cmpi ne, %convert_element_type3A_90, %cond3A_91 : i32
    scf.if %cond3A_92 {
      %dma_start3A = arith.constant 6 : i32
      %dma_start3A_271 = arith.constant 6 : i32
      %dma_start3A_272 = arith.constant 6 : i32
      %dma_start3A_273 = arith.constant 0 : i32
      %dma_start3A_274 = arith.constant 0 : i32
      %dma_start3A_275 = tpu.memref_slice %arg9[%dma_start3A_271, %dma_start3A_273, %dma_start3A_274] : memref<8x128x128xbf16, #tpu.memory_space<vmem>> -> memref<1x128x128xbf16, #tpu.memory_space<vmem>>
      %dma_start3A_276 = tpu.memref_squeeze %dma_start3A_275 : memref<1x128x128xbf16, #tpu.memory_space<vmem>> -> memref<128x128xbf16, #tpu.memory_space<vmem>>
      %dma_start3A_277 = arith.constant 0 : i32
      %dma_start3A_278 = tpu.memref_slice %arg7[%dma_start3A, %dma_start3A_277] : memref<84x128xi32, #tpu.memory_space<vmem>> -> memref<1x128xi32, #tpu.memory_space<vmem>>
      %dma_start3A_279 = tpu.memref_squeeze %dma_start3A_278 : memref<1x128xi32, #tpu.memory_space<vmem>> -> memref<128xi32, #tpu.memory_space<vmem>>
      %dma_start3A_280 = arith.constant 0 : i32
      %dma_start3A_281 = arith.constant 0 : i32
      %dma_start3A_282 = tpu.memref_slice %arg3[%dma_start3A_280, %dma_start3A_281] : memref<10240x128xbf16, #tpu.memory_space<hbm>> -> memref<10240x128xbf16, #tpu.memory_space<hbm>>
      %dma_start3A_283 = tpu.memref_slice %arg11[%dma_start3A_272] : memref<8x!tpu.dma_semaphore, #tpu.memory_space<semaphore_mem>> -> memref<1x!tpu.dma_semaphore, #tpu.memory_space<semaphore_mem>>
      %dma_start3A_284 = tpu.memref_squeeze %dma_start3A_283 : memref<1x!tpu.dma_semaphore, #tpu.memory_space<semaphore_mem>> -> memref<!tpu.dma_semaphore, #tpu.memory_space<semaphore_mem>>
      tpu.enqueue_indirect_dma source(%dma_start3A_282 : memref<10240x128xbf16, #tpu.memory_space<hbm>>) target(%dma_start3A_276 : memref<128x128xbf16, #tpu.memory_space<vmem>>) offsets(%dma_start3A_279 : memref<128xi32, #tpu.memory_space<vmem>>) semaphore(%dma_start3A_284 : memref<!tpu.dma_semaphore, #tpu.memory_space<semaphore_mem>>)
    } else {
    }
    %eq3A_93 = arith.constant 1 : i32
    %eq3A_94 = arith.cmpi eq, %arg0, %eq3A_93 : i32
    %convert_element_type3A_95 = arith.extui %eq3A_94 : i1 to i32
    %cond3A_96 = arith.constant 0 : i32
    %cond3A_97 = arith.cmpi ne, %convert_element_type3A_95, %cond3A_96 : i32
    scf.if %cond3A_97 {
      %dma_start3A = arith.constant 6 : i32
      %dma_start3A_271 = arith.constant 6 : i32
      %dma_start3A_272 = arith.constant 6 : i32
      %dma_start3A_273 = arith.constant 0 : i32
      %dma_start3A_274 = arith.constant 0 : i32
      %dma_start3A_275 = tpu.memref_slice %arg9[%dma_start3A_271, %dma_start3A_273, %dma_start3A_274] : memref<8x128x128xbf16, #tpu.memory_space<vmem>> -> memref<1x128x128xbf16, #tpu.memory_space<vmem>>
      %dma_start3A_276 = tpu.memref_squeeze %dma_start3A_275 : memref<1x128x128xbf16, #tpu.memory_space<vmem>> -> memref<128x128xbf16, #tpu.memory_space<vmem>>
      %dma_start3A_277 = arith.constant 0 : i32
      %dma_start3A_278 = tpu.memref_slice %arg7[%dma_start3A, %dma_start3A_277] : memref<84x128xi32, #tpu.memory_space<vmem>> -> memref<1x128xi32, #tpu.memory_space<vmem>>
      %dma_start3A_279 = tpu.memref_squeeze %dma_start3A_278 : memref<1x128xi32, #tpu.memory_space<vmem>> -> memref<128xi32, #tpu.memory_space<vmem>>
      %dma_start3A_280 = arith.constant 0 : i32
      %dma_start3A_281 = arith.constant 0 : i32
      %dma_start3A_282 = tpu.memref_slice %arg4[%dma_start3A_280, %dma_start3A_281] : memref<10240x128xbf16, #tpu.memory_space<hbm>> -> memref<10240x128xbf16, #tpu.memory_space<hbm>>
      %dma_start3A_283 = tpu.memref_slice %arg11[%dma_start3A_272] : memref<8x!tpu.dma_semaphore, #tpu.memory_space<semaphore_mem>> -> memref<1x!tpu.dma_semaphore, #tpu.memory_space<semaphore_mem>>
      %dma_start3A_284 = tpu.memref_squeeze %dma_start3A_283 : memref<1x!tpu.dma_semaphore, #tpu.memory_space<semaphore_mem>> -> memref<!tpu.dma_semaphore, #tpu.memory_space<semaphore_mem>>
      tpu.enqueue_indirect_dma source(%dma_start3A_282 : memref<10240x128xbf16, #tpu.memory_space<hbm>>) target(%dma_start3A_276 : memref<128x128xbf16, #tpu.memory_space<vmem>>) offsets(%dma_start3A_279 : memref<128xi32, #tpu.memory_space<vmem>>) semaphore(%dma_start3A_284 : memref<!tpu.dma_semaphore, #tpu.memory_space<semaphore_mem>>)
    } else {
    }
    %eq3A_98 = arith.constant 0 : i32
    %eq3A_99 = arith.cmpi eq, %arg0, %eq3A_98 : i32
    %convert_element_type3A_100 = arith.extui %eq3A_99 : i1 to i32
    %cond3A_101 = arith.constant 0 : i32
    %cond3A_102 = arith.cmpi ne, %convert_element_type3A_100, %cond3A_101 : i32
    scf.if %cond3A_102 {
      %dma_start3A = arith.constant 7 : i32
      %dma_start3A_271 = arith.constant 7 : i32
      %dma_start3A_272 = arith.constant 7 : i32
      %dma_start3A_273 = arith.constant 0 : i32
      %dma_start3A_274 = arith.constant 0 : i32
      %dma_start3A_275 = tpu.memref_slice %arg9[%dma_start3A_271, %dma_start3A_273, %dma_start3A_274] : memref<8x128x128xbf16, #tpu.memory_space<vmem>> -> memref<1x128x128xbf16, #tpu.memory_space<vmem>>
      %dma_start3A_276 = tpu.memref_squeeze %dma_start3A_275 : memref<1x128x128xbf16, #tpu.memory_space<vmem>> -> memref<128x128xbf16, #tpu.memory_space<vmem>>
      %dma_start3A_277 = arith.constant 0 : i32
      %dma_start3A_278 = tpu.memref_slice %arg7[%dma_start3A, %dma_start3A_277] : memref<84x128xi32, #tpu.memory_space<vmem>> -> memref<1x128xi32, #tpu.memory_space<vmem>>
      %dma_start3A_279 = tpu.memref_squeeze %dma_start3A_278 : memref<1x128xi32, #tpu.memory_space<vmem>> -> memref<128xi32, #tpu.memory_space<vmem>>
      %dma_start3A_280 = arith.constant 0 : i32
      %dma_start3A_281 = arith.constant 0 : i32
      %dma_start3A_282 = tpu.memref_slice %arg3[%dma_start3A_280, %dma_start3A_281] : memref<10240x128xbf16, #tpu.memory_space<hbm>> -> memref<10240x128xbf16, #tpu.memory_space<hbm>>
      %dma_start3A_283 = tpu.memref_slice %arg11[%dma_start3A_272] : memref<8x!tpu.dma_semaphore, #tpu.memory_space<semaphore_mem>> -> memref<1x!tpu.dma_semaphore, #tpu.memory_space<semaphore_mem>>
      %dma_start3A_284 = tpu.memref_squeeze %dma_start3A_283 : memref<1x!tpu.dma_semaphore, #tpu.memory_space<semaphore_mem>> -> memref<!tpu.dma_semaphore, #tpu.memory_space<semaphore_mem>>
      tpu.enqueue_indirect_dma source(%dma_start3A_282 : memref<10240x128xbf16, #tpu.memory_space<hbm>>) target(%dma_start3A_276 : memref<128x128xbf16, #tpu.memory_space<vmem>>) offsets(%dma_start3A_279 : memref<128xi32, #tpu.memory_space<vmem>>) semaphore(%dma_start3A_284 : memref<!tpu.dma_semaphore, #tpu.memory_space<semaphore_mem>>)
    } else {
    }
    %eq3A_103 = arith.constant 1 : i32
    %eq3A_104 = arith.cmpi eq, %arg0, %eq3A_103 : i32
    %convert_element_type3A_105 = arith.extui %eq3A_104 : i1 to i32
    %cond3A_106 = arith.constant 0 : i32
    %cond3A_107 = arith.cmpi ne, %convert_element_type3A_105, %cond3A_106 : i32
    scf.if %cond3A_107 {
      %dma_start3A = arith.constant 7 : i32
      %dma_start3A_271 = arith.constant 7 : i32
      %dma_start3A_272 = arith.constant 7 : i32
      %dma_start3A_273 = arith.constant 0 : i32
      %dma_start3A_274 = arith.constant 0 : i32
      %dma_start3A_275 = tpu.memref_slice %arg9[%dma_start3A_271, %dma_start3A_273, %dma_start3A_274] : memref<8x128x128xbf16, #tpu.memory_space<vmem>> -> memref<1x128x128xbf16, #tpu.memory_space<vmem>>
      %dma_start3A_276 = tpu.memref_squeeze %dma_start3A_275 : memref<1x128x128xbf16, #tpu.memory_space<vmem>> -> memref<128x128xbf16, #tpu.memory_space<vmem>>
      %dma_start3A_277 = arith.constant 0 : i32
      %dma_start3A_278 = tpu.memref_slice %arg7[%dma_start3A, %dma_start3A_277] : memref<84x128xi32, #tpu.memory_space<vmem>> -> memref<1x128xi32, #tpu.memory_space<vmem>>
      %dma_start3A_279 = tpu.memref_squeeze %dma_start3A_278 : memref<1x128xi32, #tpu.memory_space<vmem>> -> memref<128xi32, #tpu.memory_space<vmem>>
      %dma_start3A_280 = arith.constant 0 : i32
      %dma_start3A_281 = arith.constant 0 : i32
      %dma_start3A_282 = tpu.memref_slice %arg4[%dma_start3A_280, %dma_start3A_281] : memref<10240x128xbf16, #tpu.memory_space<hbm>> -> memref<10240x128xbf16, #tpu.memory_space<hbm>>
      %dma_start3A_283 = tpu.memref_slice %arg11[%dma_start3A_272] : memref<8x!tpu.dma_semaphore, #tpu.memory_space<semaphore_mem>> -> memref<1x!tpu.dma_semaphore, #tpu.memory_space<semaphore_mem>>
      %dma_start3A_284 = tpu.memref_squeeze %dma_start3A_283 : memref<1x!tpu.dma_semaphore, #tpu.memory_space<semaphore_mem>> -> memref<!tpu.dma_semaphore, #tpu.memory_space<semaphore_mem>>
      tpu.enqueue_indirect_dma source(%dma_start3A_282 : memref<10240x128xbf16, #tpu.memory_space<hbm>>) target(%dma_start3A_276 : memref<128x128xbf16, #tpu.memory_space<vmem>>) offsets(%dma_start3A_279 : memref<128xi32, #tpu.memory_space<vmem>>) semaphore(%dma_start3A_284 : memref<!tpu.dma_semaphore, #tpu.memory_space<semaphore_mem>>)
    } else {
    }
    %scan3A_108 = arith.constant 0 : i32
    %scan3A_109 = arith.constant 0 : i32
    %scan3A_110 = arith.constant 84 : i32
    %scan3A_111 = arith.addi %scan3A_109, %scan3A_110 : i32
    %scan3A_112 = arith.constant 1 : i32
    %scan3A_113 = scf.for %scan3A_271 = %scan3A_109 to %scan3A_111 step %scan3A_112 iter_args(%scan3A_272 = %scan3A_108) -> (i32)  : i32 {
      %rem3A = arith.constant 8 : i32
      %rem3A_273 = arith.remsi %scan3A_271, %rem3A : i32
      %dma_wait3A_274 = arith.constant 0 : i32
      %dma_wait3A_275 = arith.constant 0 : i32
      %dma_wait3A_276 = tpu.memref_slice %arg9[%rem3A_273, %dma_wait3A_274, %dma_wait3A_275] : memref<8x128x128xbf16, #tpu.memory_space<vmem>> -> memref<1x128x128xbf16, #tpu.memory_space<vmem>>
      %dma_wait3A_277 = tpu.memref_squeeze %dma_wait3A_276 : memref<1x128x128xbf16, #tpu.memory_space<vmem>> -> memref<128x128xbf16, #tpu.memory_space<vmem>>
      %dma_wait3A_278 = arith.constant 0 : i32
      %dma_wait3A_279 = arith.constant 0 : i32
      %dma_wait3A_280 = tpu.memref_slice %arg3[%dma_wait3A_278, %dma_wait3A_279] : memref<10240x128xbf16, #tpu.memory_space<hbm>> -> memref<128x128xbf16, #tpu.memory_space<hbm>>
      %dma_wait3A_281 = tpu.memref_slice %arg11[%rem3A_273] : memref<8x!tpu.dma_semaphore, #tpu.memory_space<semaphore_mem>> -> memref<1x!tpu.dma_semaphore, #tpu.memory_space<semaphore_mem>>
      %dma_wait3A_282 = tpu.memref_squeeze %dma_wait3A_281 : memref<1x!tpu.dma_semaphore, #tpu.memory_space<semaphore_mem>> -> memref<!tpu.dma_semaphore, #tpu.memory_space<semaphore_mem>>
      %dma_wait3A_283 = arith.constant 0 : i32
      %dma_wait3A_284 = arith.constant 0 : i32
      %dma_wait3A_285 = tpu.memref_slice %arg9[%rem3A_273, %dma_wait3A_283, %dma_wait3A_284] : memref<8x128x128xbf16, #tpu.memory_space<vmem>> -> memref<1x128x128xbf16, #tpu.memory_space<vmem>>
      %dma_wait3A_286 = tpu.memref_squeeze %dma_wait3A_285 : memref<1x128x128xbf16, #tpu.memory_space<vmem>> -> memref<128x128xbf16, #tpu.memory_space<vmem>>
      %dma_wait3A_287 = arith.constant 0 : i32
      %dma_wait3A_288 = arith.constant 0 : i32
      %dma_wait3A_289 = tpu.memref_slice %arg3[%dma_wait3A_287, %dma_wait3A_288] : memref<10240x128xbf16, #tpu.memory_space<hbm>> -> memref<128x128xbf16, #tpu.memory_space<hbm>>
      tpu.wait_dma2 semaphore(%dma_wait3A_282 : memref<!tpu.dma_semaphore, #tpu.memory_space<semaphore_mem>>) src(%dma_wait3A_289 : memref<128x128xbf16, #tpu.memory_space<hbm>>) dst(%dma_wait3A_286 : memref<128x128xbf16, #tpu.memory_space<vmem>>)
      %dma_start3A = arith.constant 0 : i32
      %dma_start3A_290 = arith.constant 0 : i32
      %dma_start3A_291 = tpu.memref_slice %arg9[%rem3A_273, %dma_start3A, %dma_start3A_290] : memref<8x128x128xbf16, #tpu.memory_space<vmem>> -> memref<1x128x128xbf16, #tpu.memory_space<vmem>>
      %dma_start3A_292 = tpu.memref_squeeze %dma_start3A_291 : memref<1x128x128xbf16, #tpu.memory_space<vmem>> -> memref<128x128xbf16, #tpu.memory_space<vmem>>
      %dma_start3A_293 = arith.constant 0 : i32
      %dma_start3A_294 = tpu.memref_slice %arg8[%scan3A_271, %dma_start3A_293] : memref<84x128xi32, #tpu.memory_space<vmem>> -> memref<1x128xi32, #tpu.memory_space<vmem>>
      %dma_start3A_295 = tpu.memref_squeeze %dma_start3A_294 : memref<1x128xi32, #tpu.memory_space<vmem>> -> memref<128xi32, #tpu.memory_space<vmem>>
      %dma_start3A_296 = arith.constant 0 : i32
      %dma_start3A_297 = arith.constant 0 : i32
      %dma_start3A_298 = tpu.memref_slice %arg10[%dma_start3A_296, %dma_start3A_297] : memref<10240x128xbf16, #tpu.memory_space<vmem_shared>> -> memref<10240x128xbf16, #tpu.memory_space<vmem_shared>>
      %dma_start3A_299 = tpu.memref_slice %arg12[%rem3A_273] : memref<8x!tpu.dma_semaphore, #tpu.memory_space<semaphore_mem>> -> memref<1x!tpu.dma_semaphore, #tpu.memory_space<semaphore_mem>>
      %dma_start3A_300 = tpu.memref_squeeze %dma_start3A_299 : memref<1x!tpu.dma_semaphore, #tpu.memory_space<semaphore_mem>> -> memref<!tpu.dma_semaphore, #tpu.memory_space<semaphore_mem>>
      tpu.enqueue_indirect_dma source(%dma_start3A_292 : memref<128x128xbf16, #tpu.memory_space<vmem>>) target(%dma_start3A_298 : memref<10240x128xbf16, #tpu.memory_space<vmem_shared>>) offsets(%dma_start3A_295 : memref<128xi32, #tpu.memory_space<vmem>>) semaphore(%dma_start3A_300 : memref<!tpu.dma_semaphore, #tpu.memory_space<semaphore_mem>>) {add = true}
      %add3A_301 = arith.constant 8 : i32
      %add3A_302 = arith.addi %scan3A_271, %add3A_301 : i32
      %lt3A = arith.constant 84 : i32
      %lt3A_303 = arith.cmpi slt, %add3A_302, %lt3A : i32
      %convert_element_type3A_304 = arith.extui %lt3A_303 : i1 to i32
      %cond3A_305 = arith.constant 0 : i32
      %cond3A_306 = arith.cmpi ne, %convert_element_type3A_304, %cond3A_305 : i32
      scf.if %cond3A_306 {
        %dma_wait3A_308 = arith.constant 0 : i32
        %dma_wait3A_309 = arith.constant 0 : i32
        %dma_wait3A_310 = tpu.memref_slice %arg9[%rem3A_273, %dma_wait3A_308, %dma_wait3A_309] : memref<8x128x128xbf16, #tpu.memory_space<vmem>> -> memref<1x128x128xbf16, #tpu.memory_space<vmem>>
        %dma_wait3A_311 = tpu.memref_squeeze %dma_wait3A_310 : memref<1x128x128xbf16, #tpu.memory_space<vmem>> -> memref<128x128xbf16, #tpu.memory_space<vmem>>
        %dma_wait3A_312 = arith.constant 0 : i32
        %dma_wait3A_313 = arith.constant 0 : i32
        %dma_wait3A_314 = tpu.memref_slice %arg3[%dma_wait3A_312, %dma_wait3A_313] : memref<10240x128xbf16, #tpu.memory_space<hbm>> -> memref<128x128xbf16, #tpu.memory_space<hbm>>
        %dma_wait3A_315 = tpu.memref_slice %arg12[%rem3A_273] : memref<8x!tpu.dma_semaphore, #tpu.memory_space<semaphore_mem>> -> memref<1x!tpu.dma_semaphore, #tpu.memory_space<semaphore_mem>>
        %dma_wait3A_316 = tpu.memref_squeeze %dma_wait3A_315 : memref<1x!tpu.dma_semaphore, #tpu.memory_space<semaphore_mem>> -> memref<!tpu.dma_semaphore, #tpu.memory_space<semaphore_mem>>
        %dma_wait3A_317 = arith.constant 0 : i32
        %dma_wait3A_318 = arith.constant 0 : i32
        %dma_wait3A_319 = tpu.memref_slice %arg9[%rem3A_273, %dma_wait3A_317, %dma_wait3A_318] : memref<8x128x128xbf16, #tpu.memory_space<vmem>> -> memref<1x128x128xbf16, #tpu.memory_space<vmem>>
        %dma_wait3A_320 = tpu.memref_squeeze %dma_wait3A_319 : memref<1x128x128xbf16, #tpu.memory_space<vmem>> -> memref<128x128xbf16, #tpu.memory_space<vmem>>
        %dma_wait3A_321 = arith.constant 0 : i32
        %dma_wait3A_322 = arith.constant 0 : i32
        %dma_wait3A_323 = tpu.memref_slice %arg3[%dma_wait3A_321, %dma_wait3A_322] : memref<10240x128xbf16, #tpu.memory_space<hbm>> -> memref<128x128xbf16, #tpu.memory_space<hbm>>
        tpu.wait_dma2 semaphore(%dma_wait3A_316 : memref<!tpu.dma_semaphore, #tpu.memory_space<semaphore_mem>>) src(%dma_wait3A_323 : memref<128x128xbf16, #tpu.memory_space<hbm>>) dst(%dma_wait3A_320 : memref<128x128xbf16, #tpu.memory_space<vmem>>)
        %eq3A_324 = arith.constant 0 : i32
        %eq3A_325 = arith.cmpi eq, %arg0, %eq3A_324 : i32
        %convert_element_type3A_326 = arith.extui %eq3A_325 : i1 to i32
        %cond3A_327 = arith.constant 0 : i32
        %cond3A_328 = arith.cmpi ne, %convert_element_type3A_326, %cond3A_327 : i32
        scf.if %cond3A_328 {
          %dma_start3A_334 = arith.constant 0 : i32
          %dma_start3A_335 = arith.constant 0 : i32
          %dma_start3A_336 = tpu.memref_slice %arg9[%rem3A_273, %dma_start3A_334, %dma_start3A_335] : memref<8x128x128xbf16, #tpu.memory_space<vmem>> -> memref<1x128x128xbf16, #tpu.memory_space<vmem>>
          %dma_start3A_337 = tpu.memref_squeeze %dma_start3A_336 : memref<1x128x128xbf16, #tpu.memory_space<vmem>> -> memref<128x128xbf16, #tpu.memory_space<vmem>>
          %dma_start3A_338 = arith.constant 0 : i32
          %dma_start3A_339 = tpu.memref_slice %arg7[%add3A_302, %dma_start3A_338] : memref<84x128xi32, #tpu.memory_space<vmem>> -> memref<1x128xi32, #tpu.memory_space<vmem>>
          %dma_start3A_340 = tpu.memref_squeeze %dma_start3A_339 : memref<1x128xi32, #tpu.memory_space<vmem>> -> memref<128xi32, #tpu.memory_space<vmem>>
          %dma_start3A_341 = arith.constant 0 : i32
          %dma_start3A_342 = arith.constant 0 : i32
          %dma_start3A_343 = tpu.memref_slice %arg3[%dma_start3A_341, %dma_start3A_342] : memref<10240x128xbf16, #tpu.memory_space<hbm>> -> memref<10240x128xbf16, #tpu.memory_space<hbm>>
          %dma_start3A_344 = tpu.memref_slice %arg11[%rem3A_273] : memref<8x!tpu.dma_semaphore, #tpu.memory_space<semaphore_mem>> -> memref<1x!tpu.dma_semaphore, #tpu.memory_space<semaphore_mem>>
          %dma_start3A_345 = tpu.memref_squeeze %dma_start3A_344 : memref<1x!tpu.dma_semaphore, #tpu.memory_space<semaphore_mem>> -> memref<!tpu.dma_semaphore, #tpu.memory_space<semaphore_mem>>
          tpu.enqueue_indirect_dma source(%dma_start3A_343 : memref<10240x128xbf16, #tpu.memory_space<hbm>>) target(%dma_start3A_337 : memref<128x128xbf16, #tpu.memory_space<vmem>>) offsets(%dma_start3A_340 : memref<128xi32, #tpu.memory_space<vmem>>) semaphore(%dma_start3A_345 : memref<!tpu.dma_semaphore, #tpu.memory_space<semaphore_mem>>)
        } else {
        }
        %eq3A_329 = arith.constant 1 : i32
        %eq3A_330 = arith.cmpi eq, %arg0, %eq3A_329 : i32
        %convert_element_type3A_331 = arith.extui %eq3A_330 : i1 to i32
        %cond3A_332 = arith.constant 0 : i32
        %cond3A_333 = arith.cmpi ne, %convert_element_type3A_331, %cond3A_332 : i32
        scf.if %cond3A_333 {
          %dma_start3A_334 = arith.constant 0 : i32
          %dma_start3A_335 = arith.constant 0 : i32
          %dma_start3A_336 = tpu.memref_slice %arg9[%rem3A_273, %dma_start3A_334, %dma_start3A_335] : memref<8x128x128xbf16, #tpu.memory_space<vmem>> -> memref<1x128x128xbf16, #tpu.memory_space<vmem>>
          %dma_start3A_337 = tpu.memref_squeeze %dma_start3A_336 : memref<1x128x128xbf16, #tpu.memory_space<vmem>> -> memref<128x128xbf16, #tpu.memory_space<vmem>>
          %dma_start3A_338 = arith.constant 0 : i32
          %dma_start3A_339 = tpu.memref_slice %arg7[%add3A_302, %dma_start3A_338] : memref<84x128xi32, #tpu.memory_space<vmem>> -> memref<1x128xi32, #tpu.memory_space<vmem>>
          %dma_start3A_340 = tpu.memref_squeeze %dma_start3A_339 : memref<1x128xi32, #tpu.memory_space<vmem>> -> memref<128xi32, #tpu.memory_space<vmem>>
          %dma_start3A_341 = arith.constant 0 : i32
          %dma_start3A_342 = arith.constant 0 : i32
          %dma_start3A_343 = tpu.memref_slice %arg4[%dma_start3A_341, %dma_start3A_342] : memref<10240x128xbf16, #tpu.memory_space<hbm>> -> memref<10240x128xbf16, #tpu.memory_space<hbm>>
          %dma_start3A_344 = tpu.memref_slice %arg11[%rem3A_273] : memref<8x!tpu.dma_semaphore, #tpu.memory_space<semaphore_mem>> -> memref<1x!tpu.dma_semaphore, #tpu.memory_space<semaphore_mem>>
          %dma_start3A_345 = tpu.memref_squeeze %dma_start3A_344 : memref<1x!tpu.dma_semaphore, #tpu.memory_space<semaphore_mem>> -> memref<!tpu.dma_semaphore, #tpu.memory_space<semaphore_mem>>
          tpu.enqueue_indirect_dma source(%dma_start3A_343 : memref<10240x128xbf16, #tpu.memory_space<hbm>>) target(%dma_start3A_337 : memref<128x128xbf16, #tpu.memory_space<vmem>>) offsets(%dma_start3A_340 : memref<128xi32, #tpu.memory_space<vmem>>) semaphore(%dma_start3A_345 : memref<!tpu.dma_semaphore, #tpu.memory_space<semaphore_mem>>)
        } else {
        }
      } else {
      }
      %scan3A_307 = arith.constant 0 : i32
      scf.yield %scan3A_307 : i32
    }
    %scan3A_114 = arith.constant 84 : i32
    %dma_wait3A = arith.constant 0 : i32
    %dma_wait3A_115 = arith.constant 0 : i32
    %dma_wait3A_116 = arith.constant 0 : i32
    %dma_wait3A_117 = arith.constant 0 : i32
    %dma_wait3A_118 = tpu.memref_slice %arg9[%dma_wait3A, %dma_wait3A_116, %dma_wait3A_117] : memref<8x128x128xbf16, #tpu.memory_space<vmem>> -> memref<1x128x128xbf16, #tpu.memory_space<vmem>>
    %dma_wait3A_119 = tpu.memref_squeeze %dma_wait3A_118 : memref<1x128x128xbf16, #tpu.memory_space<vmem>> -> memref<128x128xbf16, #tpu.memory_space<vmem>>
    %dma_wait3A_120 = arith.constant 0 : i32
    %dma_wait3A_121 = arith.constant 0 : i32
    %dma_wait3A_122 = tpu.memref_slice %arg3[%dma_wait3A_120, %dma_wait3A_121] : memref<10240x128xbf16, #tpu.memory_space<hbm>> -> memref<128x128xbf16, #tpu.memory_space<hbm>>
    %dma_wait3A_123 = tpu.memref_slice %arg12[%dma_wait3A_115] : memref<8x!tpu.dma_semaphore, #tpu.memory_space<semaphore_mem>> -> memref<1x!tpu.dma_semaphore, #tpu.memory_space<semaphore_mem>>
    %dma_wait3A_124 = tpu.memref_squeeze %dma_wait3A_123 : memref<1x!tpu.dma_semaphore, #tpu.memory_space<semaphore_mem>> -> memref<!tpu.dma_semaphore, #tpu.memory_space<semaphore_mem>>
    %dma_wait3A_125 = arith.constant 0 : i32
    %dma_wait3A_126 = arith.constant 0 : i32
    %dma_wait3A_127 = tpu.memref_slice %arg9[%dma_wait3A, %dma_wait3A_125, %dma_wait3A_126] : memref<8x128x128xbf16, #tpu.memory_space<vmem>> -> memref<1x128x128xbf16, #tpu.memory_space<vmem>>
    %dma_wait3A_128 = tpu.memref_squeeze %dma_wait3A_127 : memref<1x128x128xbf16, #tpu.memory_space<vmem>> -> memref<128x128xbf16, #tpu.memory_space<vmem>>
    %dma_wait3A_129 = arith.constant 0 : i32
    %dma_wait3A_130 = arith.constant 0 : i32
    %dma_wait3A_131 = tpu.memref_slice %arg3[%dma_wait3A_129, %dma_wait3A_130] : memref<10240x128xbf16, #tpu.memory_space<hbm>> -> memref<128x128xbf16, #tpu.memory_space<hbm>>
    tpu.wait_dma2 semaphore(%dma_wait3A_124 : memref<!tpu.dma_semaphore, #tpu.memory_space<semaphore_mem>>) src(%dma_wait3A_131 : memref<128x128xbf16, #tpu.memory_space<hbm>>) dst(%dma_wait3A_128 : memref<128x128xbf16, #tpu.memory_space<vmem>>)
    %dma_wait3A_132 = arith.constant 1 : i32
    %dma_wait3A_133 = arith.constant 1 : i32
    %dma_wait3A_134 = arith.constant 0 : i32
    %dma_wait3A_135 = arith.constant 0 : i32
    %dma_wait3A_136 = tpu.memref_slice %arg9[%dma_wait3A_132, %dma_wait3A_134, %dma_wait3A_135] : memref<8x128x128xbf16, #tpu.memory_space<vmem>> -> memref<1x128x128xbf16, #tpu.memory_space<vmem>>
    %dma_wait3A_137 = tpu.memref_squeeze %dma_wait3A_136 : memref<1x128x128xbf16, #tpu.memory_space<vmem>> -> memref<128x128xbf16, #tpu.memory_space<vmem>>
    %dma_wait3A_138 = arith.constant 0 : i32
    %dma_wait3A_139 = arith.constant 0 : i32
    %dma_wait3A_140 = tpu.memref_slice %arg3[%dma_wait3A_138, %dma_wait3A_139] : memref<10240x128xbf16, #tpu.memory_space<hbm>> -> memref<128x128xbf16, #tpu.memory_space<hbm>>
    %dma_wait3A_141 = tpu.memref_slice %arg12[%dma_wait3A_133] : memref<8x!tpu.dma_semaphore, #tpu.memory_space<semaphore_mem>> -> memref<1x!tpu.dma_semaphore, #tpu.memory_space<semaphore_mem>>
    %dma_wait3A_142 = tpu.memref_squeeze %dma_wait3A_141 : memref<1x!tpu.dma_semaphore, #tpu.memory_space<semaphore_mem>> -> memref<!tpu.dma_semaphore, #tpu.memory_space<semaphore_mem>>
    %dma_wait3A_143 = arith.constant 0 : i32
    %dma_wait3A_144 = arith.constant 0 : i32
    %dma_wait3A_145 = tpu.memref_slice %arg9[%dma_wait3A_132, %dma_wait3A_143, %dma_wait3A_144] : memref<8x128x128xbf16, #tpu.memory_space<vmem>> -> memref<1x128x128xbf16, #tpu.memory_space<vmem>>
    %dma_wait3A_146 = tpu.memref_squeeze %dma_wait3A_145 : memref<1x128x128xbf16, #tpu.memory_space<vmem>> -> memref<128x128xbf16, #tpu.memory_space<vmem>>
    %dma_wait3A_147 = arith.constant 0 : i32
    %dma_wait3A_148 = arith.constant 0 : i32
    %dma_wait3A_149 = tpu.memref_slice %arg3[%dma_wait3A_147, %dma_wait3A_148] : memref<10240x128xbf16, #tpu.memory_space<hbm>> -> memref<128x128xbf16, #tpu.memory_space<hbm>>
    tpu.wait_dma2 semaphore(%dma_wait3A_142 : memref<!tpu.dma_semaphore, #tpu.memory_space<semaphore_mem>>) src(%dma_wait3A_149 : memref<128x128xbf16, #tpu.memory_space<hbm>>) dst(%dma_wait3A_146 : memref<128x128xbf16, #tpu.memory_space<vmem>>)
    %dma_wait3A_150 = arith.constant 2 : i32
    %dma_wait3A_151 = arith.constant 2 : i32
    %dma_wait3A_152 = arith.constant 0 : i32
    %dma_wait3A_153 = arith.constant 0 : i32
    %dma_wait3A_154 = tpu.memref_slice %arg9[%dma_wait3A_150, %dma_wait3A_152, %dma_wait3A_153] : memref<8x128x128xbf16, #tpu.memory_space<vmem>> -> memref<1x128x128xbf16, #tpu.memory_space<vmem>>
    %dma_wait3A_155 = tpu.memref_squeeze %dma_wait3A_154 : memref<1x128x128xbf16, #tpu.memory_space<vmem>> -> memref<128x128xbf16, #tpu.memory_space<vmem>>
    %dma_wait3A_156 = arith.constant 0 : i32
    %dma_wait3A_157 = arith.constant 0 : i32
    %dma_wait3A_158 = tpu.memref_slice %arg3[%dma_wait3A_156, %dma_wait3A_157] : memref<10240x128xbf16, #tpu.memory_space<hbm>> -> memref<128x128xbf16, #tpu.memory_space<hbm>>
    %dma_wait3A_159 = tpu.memref_slice %arg12[%dma_wait3A_151] : memref<8x!tpu.dma_semaphore, #tpu.memory_space<semaphore_mem>> -> memref<1x!tpu.dma_semaphore, #tpu.memory_space<semaphore_mem>>
    %dma_wait3A_160 = tpu.memref_squeeze %dma_wait3A_159 : memref<1x!tpu.dma_semaphore, #tpu.memory_space<semaphore_mem>> -> memref<!tpu.dma_semaphore, #tpu.memory_space<semaphore_mem>>
    %dma_wait3A_161 = arith.constant 0 : i32
    %dma_wait3A_162 = arith.constant 0 : i32
    %dma_wait3A_163 = tpu.memref_slice %arg9[%dma_wait3A_150, %dma_wait3A_161, %dma_wait3A_162] : memref<8x128x128xbf16, #tpu.memory_space<vmem>> -> memref<1x128x128xbf16, #tpu.memory_space<vmem>>
    %dma_wait3A_164 = tpu.memref_squeeze %dma_wait3A_163 : memref<1x128x128xbf16, #tpu.memory_space<vmem>> -> memref<128x128xbf16, #tpu.memory_space<vmem>>
    %dma_wait3A_165 = arith.constant 0 : i32
    %dma_wait3A_166 = arith.constant 0 : i32
    %dma_wait3A_167 = tpu.memref_slice %arg3[%dma_wait3A_165, %dma_wait3A_166] : memref<10240x128xbf16, #tpu.memory_space<hbm>> -> memref<128x128xbf16, #tpu.memory_space<hbm>>
    tpu.wait_dma2 semaphore(%dma_wait3A_160 : memref<!tpu.dma_semaphore, #tpu.memory_space<semaphore_mem>>) src(%dma_wait3A_167 : memref<128x128xbf16, #tpu.memory_space<hbm>>) dst(%dma_wait3A_164 : memref<128x128xbf16, #tpu.memory_space<vmem>>)
    %dma_wait3A_168 = arith.constant 3 : i32
    %dma_wait3A_169 = arith.constant 3 : i32
    %dma_wait3A_170 = arith.constant 0 : i32
    %dma_wait3A_171 = arith.constant 0 : i32
    %dma_wait3A_172 = tpu.memref_slice %arg9[%dma_wait3A_168, %dma_wait3A_170, %dma_wait3A_171] : memref<8x128x128xbf16, #tpu.memory_space<vmem>> -> memref<1x128x128xbf16, #tpu.memory_space<vmem>>
    %dma_wait3A_173 = tpu.memref_squeeze %dma_wait3A_172 : memref<1x128x128xbf16, #tpu.memory_space<vmem>> -> memref<128x128xbf16, #tpu.memory_space<vmem>>
    %dma_wait3A_174 = arith.constant 0 : i32
    %dma_wait3A_175 = arith.constant 0 : i32
    %dma_wait3A_176 = tpu.memref_slice %arg3[%dma_wait3A_174, %dma_wait3A_175] : memref<10240x128xbf16, #tpu.memory_space<hbm>> -> memref<128x128xbf16, #tpu.memory_space<hbm>>
    %dma_wait3A_177 = tpu.memref_slice %arg12[%dma_wait3A_169] : memref<8x!tpu.dma_semaphore, #tpu.memory_space<semaphore_mem>> -> memref<1x!tpu.dma_semaphore, #tpu.memory_space<semaphore_mem>>
    %dma_wait3A_178 = tpu.memref_squeeze %dma_wait3A_177 : memref<1x!tpu.dma_semaphore, #tpu.memory_space<semaphore_mem>> -> memref<!tpu.dma_semaphore, #tpu.memory_space<semaphore_mem>>
    %dma_wait3A_179 = arith.constant 0 : i32
    %dma_wait3A_180 = arith.constant 0 : i32
    %dma_wait3A_181 = tpu.memref_slice %arg9[%dma_wait3A_168, %dma_wait3A_179, %dma_wait3A_180] : memref<8x128x128xbf16, #tpu.memory_space<vmem>> -> memref<1x128x128xbf16, #tpu.memory_space<vmem>>
    %dma_wait3A_182 = tpu.memref_squeeze %dma_wait3A_181 : memref<1x128x128xbf16, #tpu.memory_space<vmem>> -> memref<128x128xbf16, #tpu.memory_space<vmem>>
    %dma_wait3A_183 = arith.constant 0 : i32
    %dma_wait3A_184 = arith.constant 0 : i32
    %dma_wait3A_185 = tpu.memref_slice %arg3[%dma_wait3A_183, %dma_wait3A_184] : memref<10240x128xbf16, #tpu.memory_space<hbm>> -> memref<128x128xbf16, #tpu.memory_space<hbm>>
    tpu.wait_dma2 semaphore(%dma_wait3A_178 : memref<!tpu.dma_semaphore, #tpu.memory_space<semaphore_mem>>) src(%dma_wait3A_185 : memref<128x128xbf16, #tpu.memory_space<hbm>>) dst(%dma_wait3A_182 : memref<128x128xbf16, #tpu.memory_space<vmem>>)
    %dma_wait3A_186 = arith.constant 4 : i32
    %dma_wait3A_187 = arith.constant 4 : i32
    %dma_wait3A_188 = arith.constant 0 : i32
    %dma_wait3A_189 = arith.constant 0 : i32
    %dma_wait3A_190 = tpu.memref_slice %arg9[%dma_wait3A_186, %dma_wait3A_188, %dma_wait3A_189] : memref<8x128x128xbf16, #tpu.memory_space<vmem>> -> memref<1x128x128xbf16, #tpu.memory_space<vmem>>
    %dma_wait3A_191 = tpu.memref_squeeze %dma_wait3A_190 : memref<1x128x128xbf16, #tpu.memory_space<vmem>> -> memref<128x128xbf16, #tpu.memory_space<vmem>>
    %dma_wait3A_192 = arith.constant 0 : i32
    %dma_wait3A_193 = arith.constant 0 : i32
    %dma_wait3A_194 = tpu.memref_slice %arg3[%dma_wait3A_192, %dma_wait3A_193] : memref<10240x128xbf16, #tpu.memory_space<hbm>> -> memref<128x128xbf16, #tpu.memory_space<hbm>>
    %dma_wait3A_195 = tpu.memref_slice %arg12[%dma_wait3A_187] : memref<8x!tpu.dma_semaphore, #tpu.memory_space<semaphore_mem>> -> memref<1x!tpu.dma_semaphore, #tpu.memory_space<semaphore_mem>>
    %dma_wait3A_196 = tpu.memref_squeeze %dma_wait3A_195 : memref<1x!tpu.dma_semaphore, #tpu.memory_space<semaphore_mem>> -> memref<!tpu.dma_semaphore, #tpu.memory_space<semaphore_mem>>
    %dma_wait3A_197 = arith.constant 0 : i32
    %dma_wait3A_198 = arith.constant 0 : i32
    %dma_wait3A_199 = tpu.memref_slice %arg9[%dma_wait3A_186, %dma_wait3A_197, %dma_wait3A_198] : memref<8x128x128xbf16, #tpu.memory_space<vmem>> -> memref<1x128x128xbf16, #tpu.memory_space<vmem>>
    %dma_wait3A_200 = tpu.memref_squeeze %dma_wait3A_199 : memref<1x128x128xbf16, #tpu.memory_space<vmem>> -> memref<128x128xbf16, #tpu.memory_space<vmem>>
    %dma_wait3A_201 = arith.constant 0 : i32
    %dma_wait3A_202 = arith.constant 0 : i32
    %dma_wait3A_203 = tpu.memref_slice %arg3[%dma_wait3A_201, %dma_wait3A_202] : memref<10240x128xbf16, #tpu.memory_space<hbm>> -> memref<128x128xbf16, #tpu.memory_space<hbm>>
    tpu.wait_dma2 semaphore(%dma_wait3A_196 : memref<!tpu.dma_semaphore, #tpu.memory_space<semaphore_mem>>) src(%dma_wait3A_203 : memref<128x128xbf16, #tpu.memory_space<hbm>>) dst(%dma_wait3A_200 : memref<128x128xbf16, #tpu.memory_space<vmem>>)
    %dma_wait3A_204 = arith.constant 5 : i32
    %dma_wait3A_205 = arith.constant 5 : i32
    %dma_wait3A_206 = arith.constant 0 : i32
    %dma_wait3A_207 = arith.constant 0 : i32
    %dma_wait3A_208 = tpu.memref_slice %arg9[%dma_wait3A_204, %dma_wait3A_206, %dma_wait3A_207] : memref<8x128x128xbf16, #tpu.memory_space<vmem>> -> memref<1x128x128xbf16, #tpu.memory_space<vmem>>
    %dma_wait3A_209 = tpu.memref_squeeze %dma_wait3A_208 : memref<1x128x128xbf16, #tpu.memory_space<vmem>> -> memref<128x128xbf16, #tpu.memory_space<vmem>>
    %dma_wait3A_210 = arith.constant 0 : i32
    %dma_wait3A_211 = arith.constant 0 : i32
    %dma_wait3A_212 = tpu.memref_slice %arg3[%dma_wait3A_210, %dma_wait3A_211] : memref<10240x128xbf16, #tpu.memory_space<hbm>> -> memref<128x128xbf16, #tpu.memory_space<hbm>>
    %dma_wait3A_213 = tpu.memref_slice %arg12[%dma_wait3A_205] : memref<8x!tpu.dma_semaphore, #tpu.memory_space<semaphore_mem>> -> memref<1x!tpu.dma_semaphore, #tpu.memory_space<semaphore_mem>>
    %dma_wait3A_214 = tpu.memref_squeeze %dma_wait3A_213 : memref<1x!tpu.dma_semaphore, #tpu.memory_space<semaphore_mem>> -> memref<!tpu.dma_semaphore, #tpu.memory_space<semaphore_mem>>
    %dma_wait3A_215 = arith.constant 0 : i32
    %dma_wait3A_216 = arith.constant 0 : i32
    %dma_wait3A_217 = tpu.memref_slice %arg9[%dma_wait3A_204, %dma_wait3A_215, %dma_wait3A_216] : memref<8x128x128xbf16, #tpu.memory_space<vmem>> -> memref<1x128x128xbf16, #tpu.memory_space<vmem>>
    %dma_wait3A_218 = tpu.memref_squeeze %dma_wait3A_217 : memref<1x128x128xbf16, #tpu.memory_space<vmem>> -> memref<128x128xbf16, #tpu.memory_space<vmem>>
    %dma_wait3A_219 = arith.constant 0 : i32
    %dma_wait3A_220 = arith.constant 0 : i32
    %dma_wait3A_221 = tpu.memref_slice %arg3[%dma_wait3A_219, %dma_wait3A_220] : memref<10240x128xbf16, #tpu.memory_space<hbm>> -> memref<128x128xbf16, #tpu.memory_space<hbm>>
    tpu.wait_dma2 semaphore(%dma_wait3A_214 : memref<!tpu.dma_semaphore, #tpu.memory_space<semaphore_mem>>) src(%dma_wait3A_221 : memref<128x128xbf16, #tpu.memory_space<hbm>>) dst(%dma_wait3A_218 : memref<128x128xbf16, #tpu.memory_space<vmem>>)
    %dma_wait3A_222 = arith.constant 6 : i32
    %dma_wait3A_223 = arith.constant 6 : i32
    %dma_wait3A_224 = arith.constant 0 : i32
    %dma_wait3A_225 = arith.constant 0 : i32
    %dma_wait3A_226 = tpu.memref_slice %arg9[%dma_wait3A_222, %dma_wait3A_224, %dma_wait3A_225] : memref<8x128x128xbf16, #tpu.memory_space<vmem>> -> memref<1x128x128xbf16, #tpu.memory_space<vmem>>
    %dma_wait3A_227 = tpu.memref_squeeze %dma_wait3A_226 : memref<1x128x128xbf16, #tpu.memory_space<vmem>> -> memref<128x128xbf16, #tpu.memory_space<vmem>>
    %dma_wait3A_228 = arith.constant 0 : i32
    %dma_wait3A_229 = arith.constant 0 : i32
    %dma_wait3A_230 = tpu.memref_slice %arg3[%dma_wait3A_228, %dma_wait3A_229] : memref<10240x128xbf16, #tpu.memory_space<hbm>> -> memref<128x128xbf16, #tpu.memory_space<hbm>>
    %dma_wait3A_231 = tpu.memref_slice %arg12[%dma_wait3A_223] : memref<8x!tpu.dma_semaphore, #tpu.memory_space<semaphore_mem>> -> memref<1x!tpu.dma_semaphore, #tpu.memory_space<semaphore_mem>>
    %dma_wait3A_232 = tpu.memref_squeeze %dma_wait3A_231 : memref<1x!tpu.dma_semaphore, #tpu.memory_space<semaphore_mem>> -> memref<!tpu.dma_semaphore, #tpu.memory_space<semaphore_mem>>
    %dma_wait3A_233 = arith.constant 0 : i32
    %dma_wait3A_234 = arith.constant 0 : i32
    %dma_wait3A_235 = tpu.memref_slice %arg9[%dma_wait3A_222, %dma_wait3A_233, %dma_wait3A_234] : memref<8x128x128xbf16, #tpu.memory_space<vmem>> -> memref<1x128x128xbf16, #tpu.memory_space<vmem>>
    %dma_wait3A_236 = tpu.memref_squeeze %dma_wait3A_235 : memref<1x128x128xbf16, #tpu.memory_space<vmem>> -> memref<128x128xbf16, #tpu.memory_space<vmem>>
    %dma_wait3A_237 = arith.constant 0 : i32
    %dma_wait3A_238 = arith.constant 0 : i32
    %dma_wait3A_239 = tpu.memref_slice %arg3[%dma_wait3A_237, %dma_wait3A_238] : memref<10240x128xbf16, #tpu.memory_space<hbm>> -> memref<128x128xbf16, #tpu.memory_space<hbm>>
    tpu.wait_dma2 semaphore(%dma_wait3A_232 : memref<!tpu.dma_semaphore, #tpu.memory_space<semaphore_mem>>) src(%dma_wait3A_239 : memref<128x128xbf16, #tpu.memory_space<hbm>>) dst(%dma_wait3A_236 : memref<128x128xbf16, #tpu.memory_space<vmem>>)
    %dma_wait3A_240 = arith.constant 7 : i32
    %dma_wait3A_241 = arith.constant 7 : i32
    %dma_wait3A_242 = arith.constant 0 : i32
    %dma_wait3A_243 = arith.constant 0 : i32
    %dma_wait3A_244 = tpu.memref_slice %arg9[%dma_wait3A_240, %dma_wait3A_242, %dma_wait3A_243] : memref<8x128x128xbf16, #tpu.memory_space<vmem>> -> memref<1x128x128xbf16, #tpu.memory_space<vmem>>
    %dma_wait3A_245 = tpu.memref_squeeze %dma_wait3A_244 : memref<1x128x128xbf16, #tpu.memory_space<vmem>> -> memref<128x128xbf16, #tpu.memory_space<vmem>>
    %dma_wait3A_246 = arith.constant 0 : i32
    %dma_wait3A_247 = arith.constant 0 : i32
    %dma_wait3A_248 = tpu.memref_slice %arg3[%dma_wait3A_246, %dma_wait3A_247] : memref<10240x128xbf16, #tpu.memory_space<hbm>> -> memref<128x128xbf16, #tpu.memory_space<hbm>>
    %dma_wait3A_249 = tpu.memref_slice %arg12[%dma_wait3A_241] : memref<8x!tpu.dma_semaphore, #tpu.memory_space<semaphore_mem>> -> memref<1x!tpu.dma_semaphore, #tpu.memory_space<semaphore_mem>>
    %dma_wait3A_250 = tpu.memref_squeeze %dma_wait3A_249 : memref<1x!tpu.dma_semaphore, #tpu.memory_space<semaphore_mem>> -> memref<!tpu.dma_semaphore, #tpu.memory_space<semaphore_mem>>
    %dma_wait3A_251 = arith.constant 0 : i32
    %dma_wait3A_252 = arith.constant 0 : i32
    %dma_wait3A_253 = tpu.memref_slice %arg9[%dma_wait3A_240, %dma_wait3A_251, %dma_wait3A_252] : memref<8x128x128xbf16, #tpu.memory_space<vmem>> -> memref<1x128x128xbf16, #tpu.memory_space<vmem>>
    %dma_wait3A_254 = tpu.memref_squeeze %dma_wait3A_253 : memref<1x128x128xbf16, #tpu.memory_space<vmem>> -> memref<128x128xbf16, #tpu.memory_space<vmem>>
    %dma_wait3A_255 = arith.constant 0 : i32
    %dma_wait3A_256 = arith.constant 0 : i32
    %dma_wait3A_257 = tpu.memref_slice %arg3[%dma_wait3A_255, %dma_wait3A_256] : memref<10240x128xbf16, #tpu.memory_space<hbm>> -> memref<128x128xbf16, #tpu.memory_space<hbm>>
    tpu.wait_dma2 semaphore(%dma_wait3A_250 : memref<!tpu.dma_semaphore, #tpu.memory_space<semaphore_mem>>) src(%dma_wait3A_257 : memref<128x128xbf16, #tpu.memory_space<hbm>>) dst(%dma_wait3A_254 : memref<128x128xbf16, #tpu.memory_space<vmem>>)
    %barrier3A_258 = arith.constant 0 : index
    tpu.barrier barrier_id(%barrier3A_258)
    %mul3A_259 = arith.constant 640 : i32
    %mul3A_260 = arith.muli %arg1, %mul3A_259 : i32
    %eq3A_261 = arith.constant 0 : i32
    %eq3A_262 = arith.cmpi eq, %arg0, %eq3A_261 : i32
    %convert_element_type3A_263 = arith.extui %eq3A_262 : i1 to i32
    %cond3A_264 = arith.constant 0 : i32
    %cond3A_265 = arith.cmpi ne, %convert_element_type3A_263, %cond3A_264 : i32
    scf.if %cond3A_265 {
      "tpu.region"() ({
        %run_scoped3A_271 = tpu.sem_alloc : memref<!tpu.dma_semaphore, #tpu.memory_space<semaphore_mem>>
        %dma_start3A = arith.constant 0 : i32
        %dma_start3A_272 = tpu.memref_slice %arg5[%mul3A_260, %dma_start3A] : memref<10240x128xbf16, #tpu.memory_space<hbm>> -> memref<640x128xbf16, #tpu.memory_space<hbm>>
        %dma_start3A_273 = arith.constant 0 : i32
        %dma_start3A_274 = tpu.memref_slice %arg10[%mul3A_260, %dma_start3A_273] : memref<10240x128xbf16, #tpu.memory_space<vmem_shared>> -> memref<640x128xbf16, #tpu.memory_space<vmem_shared>>
        tpu.enqueue_dma source(%dma_start3A_274 : memref<640x128xbf16, #tpu.memory_space<vmem_shared>>) target(%dma_start3A_272 : memref<640x128xbf16, #tpu.memory_space<hbm>>) target_semaphore(%run_scoped3A_271 : memref<!tpu.dma_semaphore, #tpu.memory_space<semaphore_mem>>)
        %dma_wait3A_275 = arith.constant 0 : i32
        %dma_wait3A_276 = tpu.memref_slice %arg5[%mul3A_260, %dma_wait3A_275] : memref<10240x128xbf16, #tpu.memory_space<hbm>> -> memref<640x128xbf16, #tpu.memory_space<hbm>>
        %dma_wait3A_277 = arith.constant 0 : i32
        %dma_wait3A_278 = tpu.memref_slice %arg10[%mul3A_260, %dma_wait3A_277] : memref<10240x128xbf16, #tpu.memory_space<vmem_shared>> -> memref<640x128xbf16, #tpu.memory_space<vmem_shared>>
        tpu.wait_dma2 semaphore(%run_scoped3A_271 : memref<!tpu.dma_semaphore, #tpu.memory_space<semaphore_mem>>) src(%dma_wait3A_278 : memref<640x128xbf16, #tpu.memory_space<vmem_shared>>) dst(%dma_wait3A_276 : memref<640x128xbf16, #tpu.memory_space<hbm>>)
        tpu.yield
      }) : () -> ()
    } else {
    }
    %eq3A_266 = arith.constant 1 : i32
    %eq3A_267 = arith.cmpi eq, %arg0, %eq3A_266 : i32
    %convert_element_type3A_268 = arith.extui %eq3A_267 : i1 to i32
    %cond3A_269 = arith.constant 0 : i32
    %cond3A_270 = arith.cmpi ne, %convert_element_type3A_268, %cond3A_269 : i32
    scf.if %cond3A_270 {
      "tpu.region"() ({
        %run_scoped3A_271 = tpu.sem_alloc : memref<!tpu.dma_semaphore, #tpu.memory_space<semaphore_mem>>
        %dma_start3A = arith.constant 0 : i32
        %dma_start3A_272 = tpu.memref_slice %arg6[%mul3A_260, %dma_start3A] : memref<10240x128xbf16, #tpu.memory_space<hbm>> -> memref<640x128xbf16, #tpu.memory_space<hbm>>
        %dma_start3A_273 = arith.constant 0 : i32
        %dma_start3A_274 = tpu.memref_slice %arg10[%mul3A_260, %dma_start3A_273] : memref<10240x128xbf16, #tpu.memory_space<vmem_shared>> -> memref<640x128xbf16, #tpu.memory_space<vmem_shared>>
        tpu.enqueue_dma source(%dma_start3A_274 : memref<640x128xbf16, #tpu.memory_space<vmem_shared>>) target(%dma_start3A_272 : memref<640x128xbf16, #tpu.memory_space<hbm>>) target_semaphore(%run_scoped3A_271 : memref<!tpu.dma_semaphore, #tpu.memory_space<semaphore_mem>>)
        %dma_wait3A_275 = arith.constant 0 : i32
        %dma_wait3A_276 = tpu.memref_slice %arg6[%mul3A_260, %dma_wait3A_275] : memref<10240x128xbf16, #tpu.memory_space<hbm>> -> memref<640x128xbf16, #tpu.memory_space<hbm>>
        %dma_wait3A_277 = arith.constant 0 : i32
        %dma_wait3A_278 = tpu.memref_slice %arg10[%mul3A_260, %dma_wait3A_277] : memref<10240x128xbf16, #tpu.memory_space<vmem_shared>> -> memref<640x128xbf16, #tpu.memory_space<vmem_shared>>
        tpu.wait_dma2 semaphore(%run_scoped3A_271 : memref<!tpu.dma_semaphore, #tpu.memory_space<semaphore_mem>>) src(%dma_wait3A_278 : memref<640x128xbf16, #tpu.memory_space<vmem_shared>>) dst(%dma_wait3A_276 : memref<640x128xbf16, #tpu.memory_space<hbm>>)
        tpu.yield
      }) : () -> ()
    } else {
    }
    return
  }
}

module attributes {stable_mosaic.version = 14 : i64} {
  func.func @_mm_body(%arg0: i32, %arg1: memref<32x1024xf32, #tpu.memory_space<vmem>>, %arg2: memref<1024x256xf32, #tpu.memory_space<vmem>>, %arg3: memref<256x256xf32, #tpu.memory_space<vmem>>, %arg4: memref<1024x128xbf16, #tpu.memory_space<vmem>>, %arg5: memref<1024x128xbf16, #tpu.memory_space<vmem>>) attributes {dimension_semantics = [#tpu.dimension_semantics<arbitrary>], iteration_bounds = array<i64: 10>, scalar_prefetch = 0 : i64, scratch_operands = 0 : i64, tpu.core_type = #tpu.core_type<tc>, window_params = [{transform_indices = @transform_0, window_bounds = array<i64: 32, 1024>}, {transform_indices = @transform_1, window_bounds = array<i64: 1024, 256>}, {pipeline_mode = #tpu.pipeline_mode<synchronous>, transform_indices = @transform_2, window_bounds = array<i64: 256, 256>}, {transform_indices = @transform_3, window_bounds = array<i64: 1024, 128>}, {transform_indices = @transform_4, window_bounds = array<i64: 1024, 128>}]} {
    %get3A = arith.constant 0 : index
    %get3A_0 = arith.constant 0 : index
    %get3A_1 = vector.load %arg1[%get3A, %get3A_0] : memref<32x1024xf32, #tpu.memory_space<vmem>>, vector<32x1024xf32>
    %reduce_sum3A = arith.constant dense<0.000000e+00> : vector<1024xf32>
    %reduce_sum3A_2 = vector.multi_reduction <add>, %get3A_1, %reduce_sum3A [0] : vector<32x1024xf32> to vector<1024xf32>
    %rsqrt3A = math.rsqrt %reduce_sum3A_2 : vector<1024xf32>
    %get3A_3 = arith.constant 0 : index
    %get3A_4 = arith.constant 0 : index
    %get3A_5 = vector.load %arg2[%get3A_3, %get3A_4] : memref<1024x256xf32, #tpu.memory_space<vmem>>, vector<1024x256xf32>
    %get3A_6 = arith.constant 0 : index
    %get3A_7 = arith.constant 0 : index
    %get3A_8 = vector.load %arg3[%get3A_6, %get3A_7] : memref<256x256xf32, #tpu.memory_space<vmem>>, vector<256x256xf32>
    %dot_general3A = arith.constant dense<0.000000e+00> : vector<1024x256xf32>
    %dot_general3A_9 = tpu.matmul %get3A_5, %get3A_8, %dot_general3A {dimension_numbers = #tpu.dot_dimension_numbers<[1], [0], [0], [1], [0, 0, 1, 1], [], []>, transpose_lhs_hint = false} : vector<1024x256xf32>, vector<256x256xf32>, vector<1024x256xf32> -> vector<1024x256xf32>
    %broadcast_in_dim3A = vector.shape_cast %rsqrt3A : vector<1024xf32> to vector<1024x1xf32>
    %mul3A = vector.broadcast %broadcast_in_dim3A : vector<1024x1xf32> to vector<1024x256xf32>
    %mul3A_10 = arith.mulf %dot_general3A_9, %mul3A : vector<1024x256xf32>
    %convert_element_type3A = arith.truncf %mul3A_10 : vector<1024x256xf32> to vector<1024x256xbf16>
    %slice3A = vector.extract_strided_slice %convert_element_type3A {offsets = [0, 0], sizes = [1024, 128], strides = [1, 1]} : vector<1024x256xbf16> to vector<1024x128xbf16>
    %swap3A = arith.constant 0 : index
    %swap3A_11 = arith.constant 0 : index
    %swap3A_12 = vector.load %arg4[%swap3A, %swap3A_11] : memref<1024x128xbf16, #tpu.memory_space<vmem>>, vector<1024x128xbf16>
    tpu.vector_store %arg4[%swap3A, %swap3A_11], %slice3A {strides = array<i32>} : memref<1024x128xbf16, #tpu.memory_space<vmem>>, vector<1024x128xbf16>,
    %slice3A_13 = vector.extract_strided_slice %convert_element_type3A {offsets = [0, 128], sizes = [1024, 128], strides = [1, 1]} : vector<1024x256xbf16> to vector<1024x128xbf16>
    %swap3A_14 = arith.constant 0 : index
    %swap3A_15 = arith.constant 0 : index
    %swap3A_16 = vector.load %arg5[%swap3A_14, %swap3A_15] : memref<1024x128xbf16, #tpu.memory_space<vmem>>, vector<1024x128xbf16>
    tpu.vector_store %arg5[%swap3A_14, %swap3A_15], %slice3A_13 {strides = array<i32>} : memref<1024x128xbf16, #tpu.memory_space<vmem>>, vector<1024x128xbf16>,
    return
  }
  func.func @transform_0(%arg0: i32) -> (i32, i32) {
    %c0_i32 = arith.constant 0 : i32
    %c0_i32_0 = arith.constant 0 : i32
    return %c0_i32, %arg0 : i32, i32
  }
  func.func @transform_1(%arg0: i32) -> (i32, i32) {
    %c0_i32 = arith.constant 0 : i32
    %c0_i32_0 = arith.constant 0 : i32
    return %arg0, %c0_i32 : i32, i32
  }
  func.func @transform_2(%arg0: i32) -> (i32, i32) {
    %c0_i32 = arith.constant 0 : i32
    %c0_i32_0 = arith.constant 0 : i32
    %c0_i32_1 = arith.constant 0 : i32
    return %c0_i32, %c0_i32_0 : i32, i32
  }
  func.func @transform_3(%arg0: i32) -> (i32, i32) {
    %c0_i32 = arith.constant 0 : i32
    %c0_i32_0 = arith.constant 0 : i32
    return %arg0, %c0_i32 : i32, i32
  }
  func.func @transform_4(%arg0: i32) -> (i32, i32) {
    %c0_i32 = arith.constant 0 : i32
    %c0_i32_0 = arith.constant 0 : i32
    return %arg0, %c0_i32 : i32, i32
  }
}

module attributes {stable_mosaic.version = 14 : i64} {
  func.func @_fin_body(%arg0: i32, %arg1: memref<1024x128xbf16, #tpu.memory_space<vmem>>, %arg2: memref<1024x128xbf16, #tpu.memory_space<vmem>>, %arg3: memref<32x1024xf32, #tpu.memory_space<vmem>>, %arg4: memref<256xf32, #tpu.memory_space<vmem>>, %arg5: memref<1024x256xf32, #tpu.memory_space<vmem>>) attributes {dimension_semantics = [#tpu.dimension_semantics<arbitrary>], iteration_bounds = array<i64: 10>, scalar_prefetch = 0 : i64, scratch_operands = 0 : i64, tpu.core_type = #tpu.core_type<tc>, window_params = [{transform_indices = @transform_0, window_bounds = array<i64: 1024, 128>}, {transform_indices = @transform_1, window_bounds = array<i64: 1024, 128>}, {transform_indices = @transform_2, window_bounds = array<i64: 32, 1024>}, {pipeline_mode = #tpu.pipeline_mode<synchronous>, transform_indices = @transform_3, window_bounds = array<i64: 256>}, {transform_indices = @transform_4, window_bounds = array<i64: 1024, 256>}]} {
    %get3A = arith.constant 0 : index
    %get3A_0 = arith.constant 0 : index
    %get3A_1 = vector.load %arg3[%get3A, %get3A_0] : memref<32x1024xf32, #tpu.memory_space<vmem>>, vector<32x1024xf32>
    %reduce_sum3A = arith.constant dense<0.000000e+00> : vector<1024xf32>
    %reduce_sum3A_2 = vector.multi_reduction <add>, %get3A_1, %reduce_sum3A [0] : vector<32x1024xf32> to vector<1024xf32>
    %rsqrt3A = math.rsqrt %reduce_sum3A_2 : vector<1024xf32>
    %get3A_3 = arith.constant 0 : index
    %get3A_4 = arith.constant 0 : index
    %get3A_5 = vector.load %arg1[%get3A_3, %get3A_4] : memref<1024x128xbf16, #tpu.memory_space<vmem>>, vector<1024x128xbf16>
    %get3A_6 = arith.constant 0 : index
    %get3A_7 = arith.constant 0 : index
    %get3A_8 = vector.load %arg2[%get3A_6, %get3A_7] : memref<1024x128xbf16, #tpu.memory_space<vmem>>, vector<1024x128xbf16>
    %concatenate3A = tpu.concatenate %get3A_5, %get3A_8 in 1 : vector<1024x128xbf16>, vector<1024x128xbf16> -> vector<1024x256xbf16>
    %convert_element_type3A = arith.extf %concatenate3A : vector<1024x256xbf16> to vector<1024x256xf32>
    %broadcast_in_dim3A = vector.shape_cast %rsqrt3A : vector<1024xf32> to vector<1024x1xf32>
    %mul3A = vector.broadcast %broadcast_in_dim3A : vector<1024x1xf32> to vector<1024x256xf32>
    %mul3A_9 = arith.mulf %convert_element_type3A, %mul3A : vector<1024x256xf32>
    %get3A_10 = arith.constant 0 : index
    %get3A_11 = vector.load %arg4[%get3A_10] : memref<256xf32, #tpu.memory_space<vmem>>, vector<256xf32>
    %broadcast_in_dim3A_12 = vector.shape_cast %get3A_11 : vector<256xf32> to vector<1x256xf32>
    %add3A = vector.broadcast %broadcast_in_dim3A_12 : vector<1x256xf32> to vector<1024x256xf32>
    %add3A_13 = arith.addf %mul3A_9, %add3A : vector<1024x256xf32>
    %swap3A = arith.constant 0 : index
    %swap3A_14 = arith.constant 0 : index
    %swap3A_15 = vector.load %arg5[%swap3A, %swap3A_14] : memref<1024x256xf32, #tpu.memory_space<vmem>>, vector<1024x256xf32>
    tpu.vector_store %arg5[%swap3A, %swap3A_14], %add3A_13 {strides = array<i32>} : memref<1024x256xf32, #tpu.memory_space<vmem>>, vector<1024x256xf32>,
    return
  }
  func.func @transform_0(%arg0: i32) -> (i32, i32) {
    %c0_i32 = arith.constant 0 : i32
    %c0_i32_0 = arith.constant 0 : i32
    return %arg0, %c0_i32 : i32, i32
  }
  func.func @transform_1(%arg0: i32) -> (i32, i32) {
    %c0_i32 = arith.constant 0 : i32
    %c0_i32_0 = arith.constant 0 : i32
    return %arg0, %c0_i32 : i32, i32
  }
  func.func @transform_2(%arg0: i32) -> (i32, i32) {
    %c0_i32 = arith.constant 0 : i32
    %c0_i32_0 = arith.constant 0 : i32
    return %c0_i32, %arg0 : i32, i32
  }
  func.func @transform_3(%arg0: i32) -> i32 {
    %c0_i32 = arith.constant 0 : i32
    %c0_i32_0 = arith.constant 0 : i32
    return %c0_i32 : i32
  }
  func.func @transform_4(%arg0: i32) -> (i32, i32) {
    %c0_i32 = arith.constant 0 : i32
    %c0_i32_0 = arith.constant 0 : i32
    return %arg0, %c0_i32 : i32, i32
  }
}

</mosaic_0001>

<sc_bundles>
// kernel: kernel.6.cloned.1.call-start
scs
__scs_entry_jumppad:
0x0: {  	(pc) =	sbr.rel $0x88, $3  }
0x1: {  	(tag) =	ssettag $0x0;
	lr =	simm.s32 $0x1  }
0x2: {  	[smem:$0x3F9D] =	sst lr;
	_ =	strace $0xD0000000  }
0x3: {  	_ = 	snop  }
0x4: {  	_ = 	snop  }
0x5: {  	_ = 	snop  }
0x6: {  	_ = 	snop  }
0x7: {  	_ = 	snop  }
__scs_overlays_trampoline_lowered:
0x8: {  	[smem:$0x3FAC] =	sst s0  }
0x9: {  	[smem:$0x3FAD] =	sst s1  }
0xa: {  	[smem:$0x3FAE] =	sst s2  }
0xb: {  	[smem:$0x3FAF] =	sst s3  }
0xc: {  	[smem:$0x3FB0] =	sst s4  }
0xd: {  	[smem:$0x3FB1] =	sst s5  }
0xe: {  	[smem:$0x3FB2] =	sst s6  }
0xf: {  	[smem:$0x3FB3] =	sst s7  }
0x10: {  	[smem:$0x3FB4] =	sst s8  }
0x11: {  	[smem:$0x3FB5] =	sst s9;
	s0 =	simm.s32 @!p0 $0x0  }
0x12: {  	s1 =	sld [smem:$0x3F9B];
	s0 =	simm.s32 @p0 $0x1  }
0x13: {  	[smem:$0x3FB6] =	sst s0;
	s0 =	simm.s32 @!p1 $0x0  }
0x14: {  	s2 =	sld [smem:$0x3F9A];
	s0 =	simm.s32 @p1 $0x1  }
0x15: {  	[smem:$0x3FB7] =	sst s0;
	s0 =	simm.s32 @!p2 $0x0  }
0x16: {  	s3 =	sld [smem:$0x3FDB];
	s0 =	simm.s32 @p2 $0x1  }
0x17: {  	s4 =	simm.s32 $0x1BF5;
	[smem:$0x3FB9] =	sst s0  }
0x18: {  	s0 =	sld [smem:$0x3F9C];
	_ =	swait.ge [sflag:s4], $0x0  }
0x19: {  	s7 =	sld [smem:$0x3F9D]  }
0x1a: {  	s8 =	sadd.s32 $0xFFFFE003, lr  }
0x1b: {  	s9 =	sadd.s32 $0xFFFFFEF7, lr;
	s5 =	simm.s32 $0xFFFFFFFF;
	p2 =	slt.u32 s8, $0xFFFFF086  }
0x1c: {  	p1 =	slt.u32 s9, $0xF7A;
	s5 =	simm.s32 @!p2 $0x0  }
0x1d: {  	s5 =	simm.s32 @p1 $0x1;
	p0 =	seq.s32 s7, s2  }
0x1e: {  	s7 =	smul.u32 @!p0 $0xF7A, s2;
	p2 =	seq.s32 @!p0 s5, $0x0  }
0x1f: {  	s9 =	smul.u32 $0xF7A, s1;
	s8 =	simm.s32 @!p0 $0x1BF5;
	p2 =	por !p2, p0  }
0x20: {  	[sflag:s8] =	ssyncset.s32 @!p0 $0xFFFFF086;
	s6 =	sadd.s32 @!p0 s3, s7;
	s7 =	simm.s32 @!p0 $0x108  }
0x21: {  	s3 =	sadd.s32 s3, s9;
	s6 =	sadd.s32 @!p0 $0x88, s6;
	s7 =	simm.s32 @p2 $0x1082  }
0x22: {  	[simem:s7], [sflag:s8] =	dma.local @!p0 [hbm:s6], $0xF7A  }
0x23: {  	s9 =	sor.u32 $0xD0000000, s2;
	s6 =	simm.s32 $0x108;
	_ =	swait.ge @!p0 [sflag:s8], $0x0  }
0x24: {  	s3 =	sadd.s32 $0x88, s3;
	s6 =	simm.s32 @!p1 $0x1082;
	[sflag:s4] =	ssyncset.s32 $0xFFFFF086  }
0x25: {  	[simem:s6], [sflag:s4] =	dma.local [hbm:s3], $0xF7A  }
0x26: {  	[smem:$0x3F9D] =	sst s1;
	(tag) =	ssettag s2;
	_ =	strace s9  }
0x27: {  	s1 =	sld [smem:$0x3FAD]  }
0x28: {  	s2 =	sld [smem:$0x3FAE]  }
0x29: {  	s4 =	sld [smem:$0x3FB0]  }
0x2a: {  	p0 =	seq.s32 s5, $0x0;
	s5 =	sld [smem:$0x3FB1]  }
0x2b: {  	s6 =	sld [smem:$0x3FB2]  }
0x2c: {  	s7 =	sld [smem:$0x3FB3]  }
0x2d: {  	s3 =	simm.s32 $0x108;
	s8 =	sld [smem:$0x3FB4]  }
0x2e: {  	s3 =	simm.s32 @!p0 $0x1082;
	s9 =	sld [smem:$0x3FB5]  }
0x2f: {  	lr =	sadd.s32 s0, s3;
	s0 =	sld [smem:$0x3FAC]  }
0x30: {  	s3 =	sld [smem:$0x3FAF]  }
0x31: {  	[smem:$0x3FB8] =	sst s10  }
0x32: {  	s10 =	sld [smem:$0x3FB6];
	_ =	sdelay $0x3  }
0x33: {  	p0 =	seq.s32 s10, $0x1;
	s10 =	sld [smem:$0x3FB8];
	_ =	sdelay $0x3  }
0x34: {  	[smem:$0x3FB8] =	sst s10  }
0x35: {  	s10 =	sld [smem:$0x3FB7];
	_ =	sdelay $0x3  }
0x36: {  	p1 =	seq.s32 s10, $0x1;
	s10 =	sld [smem:$0x3FB8];
	_ =	sdelay $0x3  }
0x37: {  	[smem:$0x3FB8] =	sst s10  }
0x38: {  	s10 =	sld [smem:$0x3FB9]  }
0x39: {  	_ = 	snop;
	(pc) =	sbr.ind lr, $3  }
0x3a: {  	_ = 	snop  }
0x3b: {  	_ = 	snop  }
0x3c: {  	p2 =	seq.s32 s10, $0x1;
	s10 =	sld [smem:$0x3FB8]  }
0x3d: {  	_ =	shalt  }
0x3e: {  	_ =	shalt  }
0x3f: {  	_ =	shalt  }
0x40: {  	_ =	shalt  }
0x41: {  	_ =	shalt  }
0x42: {  	_ =	shalt  }
0x43: {  	_ =	shalt  }
0x44: {  	_ =	shalt  }
0x45: {  	_ =	shalt  }
0x46: {  	_ =	shalt  }
0x47: {  	_ =	shalt  }
0x48: {  	_ =	shalt  }
0x49: {  	_ =	shalt  }
0x4a: {  	_ =	shalt  }
0x4b: {  	_ =	shalt  }
0x4c: {  	_ =	shalt  }
0x4d: {  	_ =	shalt  }
0x4e: {  	_ =	shalt  }
0x4f: {  	_ =	shalt  }
0x50: {  	_ =	shalt  }
0x51: {  	_ =	shalt  }
0x52: {  	_ =	shalt  }
0x53: {  	_ =	shalt  }
0x54: {  	_ =	shalt  }
0x55: {  	_ =	shalt  }
0x56: {  	_ =	shalt  }
0x57: {  	_ =	shalt  }
0x58: {  	_ =	shalt  }
0x59: {  	_ =	shalt  }
0x5a: {  	_ =	shalt  }
0x5b: {  	_ =	shalt  }
0x5c: {  	_ =	shalt  }
0x5d: {  	_ =	shalt  }
0x5e: {  	_ =	shalt  }
0x5f: {  	_ =	shalt  }
0x60: {  	_ =	shalt  }
0x61: {  	_ =	shalt  }
0x62: {  	_ =	shalt  }
0x63: {  	_ =	shalt  }
0x64: {  	_ =	shalt  }
0x65: {  	_ =	shalt  }
0x66: {  	_ =	shalt  }
0x67: {  	_ =	shalt  }
0x68: {  	_ =	shalt  }
0x69: {  	_ =	shalt  }
0x6a: {  	_ =	shalt  }
0x6b: {  	_ =	shalt  }
0x6c: {  	_ =	shalt  }
0x6d: {  	_ =	shalt  }
0x6e: {  	_ =	shalt  }
0x6f: {  	_ =	shalt  }
0x70: {  	_ =	shalt  }
0x71: {  	_ =	shalt  }
0x72: {  	_ =	shalt  }
0x73: {  	_ =	shalt  }
0x74: {  	_ =	shalt  }
0x75: {  	_ =	shalt  }
0x76: {  	_ =	shalt  }
0x77: {  	_ =	shalt  }
0x78: {  	_ =	shalt  }
0x79: {  	_ =	shalt  }
0x7a: {  	_ =	shalt  }
0x7b: {  	_ =	shalt  }
0x7c: {  	_ =	shalt  }
0x7d: {  	_ =	shalt  }
0x7e: {  	_ =	shalt  }
0x7f: {  	_ =	shalt  }
0x80: {  	_ =	shalt  }
0x81: {  	_ =	shalt  }
0x82: {  	_ =	shalt  }
0x83: {  	_ =	shalt  }
0x84: {  	_ =	shalt  }
0x85: {  	_ =	shalt  }
0x86: {  	_ =	shalt  }
0x87: {  	_ =	shalt  }
.Lfunc_end0:
.L_simem_size_0:
called_computation_lowered:
.L_overlay_start_0:
0x88: {  	s2 =	sld [smem:$0x3FD9]  }
0x89: {  	s3 =	sld [smem:$0x3FFE];
	_ =	sdelay $0x1  }
0x8a: {  	s1 =	srdreg.scid  }
0x8b: {  	s0 =	sand.u32 $0x1, s1  }
0x8c: {  	s17 =	sshll.u32 s0, $0xA;
	s2 =	sadd.s32 s3, s2  }
0x8d: {  	s2 =	sadd.s32 s2, s17  }
0x8e: {  	[smem:$0x3FC4] =	sst s2  }
0x8f: {  	_ = 	snop  }
0x90: {  	s2 =	sld [smem:$0x3FD0];
	(tm) =	ssettm $0x1  }
0x91: {  	s18 =	sld [smem:$0x3FFB];
	_ =	sdelay $0x3  }
0x92: {  	_ =	strace s18  }
0x93: {  	s3 =	sld [smem:$0x3FFC];
	_ =	sdelay $0x3  }
0x94: {  	_ =	strace s3  }
0x95: {  	s3 =	sld [smem:$0x3FFD];
	_ =	sdelay $0x3  }
0x96: {  	_ =	strace s3  }
0x97: {  	_ =	strace $0x8FFFFFFF  }
0x98: {  	s19 =	sld [smem:$0x3FDB];
	_ =	sdelay $0x1  }
0x99: {  	s4 =	simm.s32 $_scs_section_size  }
0x9a: {  	s5 =	simm.s32 $_size__tile_overlayer_lowered;
	s6 =	simm.s32 $_tile_overlayer_lowered  }
0x9b: {  	s22 =	simm.s32 $0x1BFF;
	s21 =	sshll.u32 s6, $0x1;
	s3 =	sadd.s32 s4, s19  }
0x9c: {  	s7 =	simm.s32 $0x0;
	s20 =	sshll.u32 s5, $0x1;
	s5 =	sadd.s32 s21, s3  }
0x9d: {  	[timem:s7], [sflag:s22] =	dma.local [hbm:s5], s20  }
0x9e: {  	_ =	swait.ge [sflag:s22], s20  }
0x9f: {  	s4 =	ssub.s32 $0x0, s20;
	[sflag:s22] =	ssyncset.done $0x0  }
0xa0: {  	[sflag:s22] =	ssyncadd.s32 s4;
	_ =	sdelay $0x1  }
0xa1: {  	s23 =	simm.s32 $0x1B8B  }
0xa2: {  	_ =	swait.ge [sflag:s23], $0x1  }
0xa3: {  	[sflag:s23] =	ssyncset.done $0x0  }
0xa4: {  	s25 =	simm.s32 $0x1B8E;
	s24 =	sld [smem:$0x3FFE];
	[sflag:s23] =	ssyncadd.s32 $0xFFFFFFFF  }
0xa5: {  	s26 =	simm.s32 $execute0_lowered;
	[smem:$0x3FD2] =	sst s25  }
0xa6: {  	s5 =	sshll.u32 s26, $0x1;
	_ =	strace $0x80000046;
	[dreg:$0x1] =	wrdreg $0xFFFFFFFF  }
0xa7: {  	s28 =	simm.s32 $_size_execute0_lowered;
	s3 =	sadd.s32 s3, s5;
	[dreg:$0x0] =	wrdreg $0x0  }
0xa8: {  	s5 =	sshll.u32 s28, $0x1;
	[dreg:$0x2] =	wrdreg s3  }
0xa9: {  	[dreg:$0x3] =	wrdreg s5  }
0xaa: {  	[dreg:$0x4] =	wrdreg $0xC0  }
0xab: {  	_ =	task [dreg:s7], $0x5FFFF  }
0xac: {  	[dreg:$0x1] =	wrdreg $0xFFFFFFFF  }
0xad: {  	[dreg:$0x0] =	wrdreg $0x60  }
0xae: {  	[dreg:$0x2] =	wrdreg s2  }
0xaf: {  	[dreg:$0x3] =	wrdreg s24  }
0xb0: {  	[dreg:$0x4] =	wrdreg $0x9  }
0xb1: {  	_ =	task.clear_ibuf [dreg:s7], $0x5FFFF;
	_ =	strace $0x90000046  }
0xb2: {  	s29 =	simm.s32 $0x9;
	_ =	strace $0x80000048  }
0xb3: {  	_ =	swait.ge [sflag:s29], $0x1  }
0xb4: {  	[sflag:s29] =	ssyncadd.s32 $0xFFFFFFFF  }
0xb5: {  	_ =	strace $0x90000048  }
0xb6: {  	_ =	sfence  }
0xb7: {  	s30 =	sld [smem:$0x0];
	_ =	sdelay $0x2  }
0xb8: {  	s31 =	sshll.u32 s1, $0xD;
	s1 =	sshrl.u32 s1, $0x2  }
0xb9: {  	s3 =	sand.u32 $0x4000, s31;
	s1 =	sadd.s32 s1, s30  }
0xba: {  	s0 =	sor.u32 s3, s0;
	s1 =	sshll.u32 s1, $0x11  }
0xbb: {  	s0 =	sor.u32 s1, s0  }
0xbc: {  	s0 =	sadd.s32 $0x8F2B, s0  }
0xbd: {  	[sflag:s0] =	ssyncadd.remote.s32 $0x1  }
0xbe: {  	_ =	sfence.sel $0xFFFF  }
0xbf: {  	[dreg:$0x0] =	wrdreg $0xFFFFFFFF;
	(pc) =	sbr.abs _section_cstart, $3  }
0xc0: {  	[dreg:$0x1] =	wrdreg $0xFFFFFFFF  }
0xc1: {  	_ =	task.clear_ibuf [dreg:s7], $0x2FFFF;
	_ =	strace $0x9FFFFFFF  }
0xc2: {  	(tm) =	ssettm $0x7FFFFFFF  }
0xc3: {  	_ =	shalt  }
tec
execute0_lowered:
.L_overlay_start_1:
0x0: {  	(tag) =	ssettag $0x1  }
0x1: {  	s3 =	rddreg [dreg:$0x0]  }
0x2: {  	s4 =	rddreg [dreg:$0x1]  }
0x3: {  	s1 =	srdreg.scid;
	s0 =	stileid.u32  }
0x4: {  	s5 =	sand.u32 $0x1, s1;
	s25 =	sshrl.u32 s0, $0x2;
	s26 =	smul.u32 $0x580, s0  }
0x5: {  	s2 =	sshll.u32 s0, $0x8;
	s1 =	rddreg [dreg:$0x2];
	s6 =	smul.u32 $0x14000, s25  }
0x6: {  	s7 =	sshll.u32 s5, $0x7;
	s8 =	sand.u32 $0x300, s2;
	s29 =	smul.u32 $0x5400, s5  }
0x7: {  	s2 =	simm.s32 $0x0;
	s28 =	ssub.s32 $0x2, s5;
	s7 =	sor.u32 s7, s8  }
0x8: {  	[smem:$0x7FF] =	sst s2;
	s9 =	sshrl.u32 s28, $0x1;
	s31 =	sshrl.u32 s29, $0x2  }
0x9: {  	s3 =	sadd.s32 s26, s3;
	s8 =	simm.s32 $0x80;
	s10 =	sor.u32 $0x40, s31  }
0xa: {  	s6 =	sor.u32 s6, s7;
	_ =	strace $0x80000047;
	s30 =	ssub.s32 s28, s9;
	v2 =	vmov s10  }
0xb: {  	s3 =	sadd.s32 $0x5800, s3;
	s7 =	simm.s32 $0x2C00;
	s6 =	sshrl.u32 s6, $0x3  }
0xc: {  	s9 =	simm.s32 $0x400;
	s5 =	smax.u32 s30, $0x1;
	s4 =	sadd.s32 s6, s4  }
0xd: {  	v0 =	vimm.f32 $0.0e+00;
	v1 =	vimm.f32 $1.000000000e+00;
	s6 =	simm.s32 $0x1;
	s10 =	simm.s32 $0x0;
	s4 =	sadd.s32 $0x2400, s4  }
.LBB2_1:
0xe: {  	[tilespmem:s2], [sflag:$0x1] =	stream.linear.gather [hbm4b:s3+s2], $0x2A00, $0x38;
	[tilespmem:$0x5400] =	vst v63  }
0xf: {  	_ =	swait.ge [sflag:s6], $0x2A00  }
0x10: {  	[sflag:s6] =	ssyncset.done $0x0  }
0x11: {  	s11 =	simm.s32 $0x0;
	[sflag:s6] =	ssyncadd.s32 $0xFFFFD600  }
.LBB2_2:
0x12: {  	p0 =	sne.s32 s11, $0x9FC0  }
.Ltmp0:
0x13: {  	_ = 	snop;
	(pc) =	sbr.rel @p0 .LBB2_2-.Ltmp0, $3  }
0x14: {  	_ =	sdelay $0x1  }
0x15: {  	s12 =	sshra.s32 s11, $0x2  }
0x16: {  	s11 =	sadd.s32 $0x40, s11;
	[tilespmem:s12+$0x2C00] =	vst v0  }
0x17: {  	s11 =	simm.s32 $0x0  }
.LBB2_4:
0x18: {  	s12 =	sshra.s32 s11, $0x2  }
0x19: {  	v3 =	vld.idx.msk [tilespmem:v2+s12+$0xFFFFFFC0 ss:$0x1], $0xffff;
	_ =	sdelay $0x7  }
0x1a: {  	[tilespmem:v3+s7+$0x0] =	vst.idx.add.f32.msk $0xffff, v1  }
0x1b: {  	v3 =	vld.idx.msk [tilespmem:v2+s12+$0xFFFFFFD0 ss:$0x1], $0xffff;
	_ =	sdelay $0x7  }
0x1c: {  	[tilespmem:v3+s7+$0x0] =	vst.idx.add.f32.msk $0xffff, v1  }
0x1d: {  	v3 =	vld.idx.msk [tilespmem:v2+s12+$0xFFFFFFE0 ss:$0x1], $0xffff;
	_ =	sdelay $0x7  }
0x1e: {  	[tilespmem:v3+s7+$0x0] =	vst.idx.add.f32.msk $0xffff, v1  }
0x1f: {  	v3 =	vld.idx.msk [tilespmem:v2+s12+$0xFFFFFFF0 ss:$0x1], $0xffff;
	_ =	sdelay $0x7  }
0x20: {  	[tilespmem:v3+s7+$0x0] =	vst.idx.add.f32.msk $0xffff, v1  }
0x21: {  	v3 =	vld.idx.msk [tilespmem:v2+s12+$0x0 ss:$0x1], $0xffff;
	_ =	sdelay $0x7  }
0x22: {  	[tilespmem:v3+s7+$0x0] =	vst.idx.add.f32.msk $0xffff, v1  }
0x23: {  	v3 =	vld.idx.msk [tilespmem:v2+s12+$0x10 ss:$0x1], $0xffff;
	_ =	sdelay $0x7  }
0x24: {  	[tilespmem:v3+s7+$0x0] =	vst.idx.add.f32.msk $0xffff, v1  }
0x25: {  	v3 =	vld.idx.msk [tilespmem:v2+s12+$0x20 ss:$0x1], $0xffff;
	_ =	sdelay $0x7  }
0x26: {  	[tilespmem:v3+s7+$0x0] =	vst.idx.add.f32.msk $0xffff, v1  }
0x27: {  	v3 =	vld.idx.msk [tilespmem:v2+s12+$0x30 ss:$0x1], $0xffff;
	_ =	sdelay $0x2  }
0x28: {  	p0 =	sne.s32 s11, $0x5200  }
.Ltmp1:
0x29: {  	_ = 	snop;
	(pc) =	sbr.rel @p0 .LBB2_4-.Ltmp1, $2  }
0x2a: {  	_ =	sdelay $0x2  }
0x2b: {  	s11 =	sadd.s32 $0x200, s11;
	[tilespmem:v3+s7+$0x0] =	vst.idx.add.f32.msk $0xffff, v1  }
0x2c: {  	s10 =	sadd.s32 $0x1, s10  }
0x2d: {  	p0 =	sne.s32 s10, s5  }
.Ltmp2:
0x2e: {  	_ = 	snop;
	(pc) =	sbr.rel @p0 .LBB2_1-.Ltmp2, $4  }
0x2f: {  	[hbm4b:s4+s8] =	stream.strided.scatter [tilespmem:s7], [sflag:$0x1], $0x2800, s9, s8, $0x38;
	[tilespmem:$0x5400] =	vst v63  }
0x30: {  	_ =	swait.ge [sflag:s6], $0x2800  }
0x31: {  	[sflag:s6] =	ssyncset.done $0x0  }
0x32: {  	[sflag:s6] =	ssyncadd.s32 $0xFFFFD800  }
0x33: {  	_ =	sfence.sel $0x180000  }
0x34: {  	[bflag:$0x0] =	sbarrier.arrive $0xFFFF  }
0x35: {  	p0 =	sne.s32 s0, $0x0;
	_ =	strace $0x90000047  }
0x36: {  	s0 =	sadd.s32 @!p0 $0x100000, s1;
	[bflag:$0x2] =	sbarrier.arrive $0xFFFF  }
0x37: {  	[sflag:s0] =	ssyncadd.tile.s32 @!p0 $0x1;
	_ =	shalt  }
.Lfunc_end2:
_tile_overlayer_lowered:
.L_overlay_start_2:
0x38: {  	(tag) =	ssettag $0x2  }
0x39: {  	s0 =	rddreg [dreg:$0x0];
	s2 =	stileid.u32  }
0x3a: {  	s1 =	rddreg [dreg:$0x1];
	p0 =	sne.s32 s2, $0x0  }
0x3b: {  	s3 =	rddreg [dreg:$0x2];
	[bflag:$0x3] =	sbarrier.arrive $0xFFFF;
	s2 =	simm.s32 @!p0 $0x1C01  }
0x3c: {  	[timem:s3], [sflag:s2] =	dma.local @!p0 [hbm:s0], s1  }
0x3d: {  	s0 =	simm.s32 @!p0 $0x1  }
0x3e: {  	_ =	swait.ge @!p0 [sflag:s0], s1  }
0x3f: {  	s1 =	ssub.s32 @!p0 $0x0, s1;
	[sflag:s0] =	ssyncset.done @!p0 $0x0  }
0x40: {  	[sflag:s0] =	ssyncadd.s32 @!p0 s1  }
0x41: {  	[bflag:$0x3] =	sbarrier.arrive $0xFFFF  }
0x42: {  	_ =	shalt  }

// kernel: kernel.9.cloned.1.call-start
scs
__scs_entry_jumppad:
0x0: {  	(pc) =	sbr.rel $0x88, $3  }
0x1: {  	(tag) =	ssettag $0x0;
	lr =	simm.s32 $0x1  }
0x2: {  	[smem:$0x3F9D] =	sst lr;
	_ =	strace $0xD0000000  }
0x3: {  	_ = 	snop  }
0x4: {  	_ = 	snop  }
0x5: {  	_ = 	snop  }
0x6: {  	_ = 	snop  }
0x7: {  	_ = 	snop  }
__scs_overlays_trampoline_lowered:
0x8: {  	[smem:$0x3FAC] =	sst s0  }
0x9: {  	[smem:$0x3FAD] =	sst s1  }
0xa: {  	[smem:$0x3FAE] =	sst s2  }
0xb: {  	[smem:$0x3FAF] =	sst s3  }
0xc: {  	[smem:$0x3FB0] =	sst s4  }
0xd: {  	[smem:$0x3FB1] =	sst s5  }
0xe: {  	[smem:$0x3FB2] =	sst s6  }
0xf: {  	[smem:$0x3FB3] =	sst s7  }
0x10: {  	[smem:$0x3FB4] =	sst s8  }
0x11: {  	[smem:$0x3FB5] =	sst s9;
	s0 =	simm.s32 @!p0 $0x0  }
0x12: {  	s1 =	sld [smem:$0x3F9B];
	s0 =	simm.s32 @p0 $0x1  }
0x13: {  	[smem:$0x3FB6] =	sst s0;
	s0 =	simm.s32 @!p1 $0x0  }
0x14: {  	s2 =	sld [smem:$0x3F9A];
	s0 =	simm.s32 @p1 $0x1  }
0x15: {  	[smem:$0x3FB7] =	sst s0;
	s0 =	simm.s32 @!p2 $0x0  }
0x16: {  	s3 =	sld [smem:$0x3FDB];
	s0 =	simm.s32 @p2 $0x1  }
0x17: {  	s4 =	simm.s32 $0x1BF5;
	[smem:$0x3FB9] =	sst s0  }
0x18: {  	s0 =	sld [smem:$0x3F9C];
	_ =	swait.ge [sflag:s4], $0x0  }
0x19: {  	s7 =	sld [smem:$0x3F9D]  }
0x1a: {  	s8 =	sadd.s32 $0xFFFFE003, lr  }
0x1b: {  	s9 =	sadd.s32 $0xFFFFFEF7, lr;
	s5 =	simm.s32 $0xFFFFFFFF;
	p2 =	slt.u32 s8, $0xFFFFF086  }
0x1c: {  	p1 =	slt.u32 s9, $0xF7A;
	s5 =	simm.s32 @!p2 $0x0  }
0x1d: {  	s5 =	simm.s32 @p1 $0x1;
	p0 =	seq.s32 s7, s2  }
0x1e: {  	s7 =	smul.u32 @!p0 $0xF7A, s2;
	p2 =	seq.s32 @!p0 s5, $0x0  }
0x1f: {  	s9 =	smul.u32 $0xF7A, s1;
	s8 =	simm.s32 @!p0 $0x1BF5;
	p2 =	por !p2, p0  }
0x20: {  	[sflag:s8] =	ssyncset.s32 @!p0 $0xFFFFF086;
	s6 =	sadd.s32 @!p0 s3, s7;
	s7 =	simm.s32 @!p0 $0x108  }
0x21: {  	s3 =	sadd.s32 s3, s9;
	s6 =	sadd.s32 @!p0 $0x88, s6;
	s7 =	simm.s32 @p2 $0x1082  }
0x22: {  	[simem:s7], [sflag:s8] =	dma.local @!p0 [hbm:s6], $0xF7A  }
0x23: {  	s9 =	sor.u32 $0xD0000000, s2;
	s6 =	simm.s32 $0x108;
	_ =	swait.ge @!p0 [sflag:s8], $0x0  }
0x24: {  	s3 =	sadd.s32 $0x88, s3;
	s6 =	simm.s32 @!p1 $0x1082;
	[sflag:s4] =	ssyncset.s32 $0xFFFFF086  }
0x25: {  	[simem:s6], [sflag:s4] =	dma.local [hbm:s3], $0xF7A  }
0x26: {  	[smem:$0x3F9D] =	sst s1;
	(tag) =	ssettag s2;
	_ =	strace s9  }
0x27: {  	s1 =	sld [smem:$0x3FAD]  }
0x28: {  	s2 =	sld [smem:$0x3FAE]  }
0x29: {  	s4 =	sld [smem:$0x3FB0]  }
0x2a: {  	p0 =	seq.s32 s5, $0x0;
	s5 =	sld [smem:$0x3FB1]  }
0x2b: {  	s6 =	sld [smem:$0x3FB2]  }
0x2c: {  	s7 =	sld [smem:$0x3FB3]  }
0x2d: {  	s3 =	simm.s32 $0x108;
	s8 =	sld [smem:$0x3FB4]  }
0x2e: {  	s3 =	simm.s32 @!p0 $0x1082;
	s9 =	sld [smem:$0x3FB5]  }
0x2f: {  	lr =	sadd.s32 s0, s3;
	s0 =	sld [smem:$0x3FAC]  }
0x30: {  	s3 =	sld [smem:$0x3FAF]  }
0x31: {  	[smem:$0x3FB8] =	sst s10  }
0x32: {  	s10 =	sld [smem:$0x3FB6];
	_ =	sdelay $0x3  }
0x33: {  	p0 =	seq.s32 s10, $0x1;
	s10 =	sld [smem:$0x3FB8];
	_ =	sdelay $0x3  }
0x34: {  	[smem:$0x3FB8] =	sst s10  }
0x35: {  	s10 =	sld [smem:$0x3FB7];
	_ =	sdelay $0x3  }
0x36: {  	p1 =	seq.s32 s10, $0x1;
	s10 =	sld [smem:$0x3FB8];
	_ =	sdelay $0x3  }
0x37: {  	[smem:$0x3FB8] =	sst s10  }
0x38: {  	s10 =	sld [smem:$0x3FB9]  }
0x39: {  	_ = 	snop;
	(pc) =	sbr.ind lr, $3  }
0x3a: {  	_ = 	snop  }
0x3b: {  	_ = 	snop  }
0x3c: {  	p2 =	seq.s32 s10, $0x1;
	s10 =	sld [smem:$0x3FB8]  }
0x3d: {  	_ =	shalt  }
0x3e: {  	_ =	shalt  }
0x3f: {  	_ =	shalt  }
0x40: {  	_ =	shalt  }
0x41: {  	_ =	shalt  }
0x42: {  	_ =	shalt  }
0x43: {  	_ =	shalt  }
0x44: {  	_ =	shalt  }
0x45: {  	_ =	shalt  }
0x46: {  	_ =	shalt  }
0x47: {  	_ =	shalt  }
0x48: {  	_ =	shalt  }
0x49: {  	_ =	shalt  }
0x4a: {  	_ =	shalt  }
0x4b: {  	_ =	shalt  }
0x4c: {  	_ =	shalt  }
0x4d: {  	_ =	shalt  }
0x4e: {  	_ =	shalt  }
0x4f: {  	_ =	shalt  }
0x50: {  	_ =	shalt  }
0x51: {  	_ =	shalt  }
0x52: {  	_ =	shalt  }
0x53: {  	_ =	shalt  }
0x54: {  	_ =	shalt  }
0x55: {  	_ =	shalt  }
0x56: {  	_ =	shalt  }
0x57: {  	_ =	shalt  }
0x58: {  	_ =	shalt  }
0x59: {  	_ =	shalt  }
0x5a: {  	_ =	shalt  }
0x5b: {  	_ =	shalt  }
0x5c: {  	_ =	shalt  }
0x5d: {  	_ =	shalt  }
0x5e: {  	_ =	shalt  }
0x5f: {  	_ =	shalt  }
0x60: {  	_ =	shalt  }
0x61: {  	_ =	shalt  }
0x62: {  	_ =	shalt  }
0x63: {  	_ =	shalt  }
0x64: {  	_ =	shalt  }
0x65: {  	_ =	shalt  }
0x66: {  	_ =	shalt  }
0x67: {  	_ =	shalt  }
0x68: {  	_ =	shalt  }
0x69: {  	_ =	shalt  }
0x6a: {  	_ =	shalt  }
0x6b: {  	_ =	shalt  }
0x6c: {  	_ =	shalt  }
0x6d: {  	_ =	shalt  }
0x6e: {  	_ =	shalt  }
0x6f: {  	_ =	shalt  }
0x70: {  	_ =	shalt  }
0x71: {  	_ =	shalt  }
0x72: {  	_ =	shalt  }
0x73: {  	_ =	shalt  }
0x74: {  	_ =	shalt  }
0x75: {  	_ =	shalt  }
0x76: {  	_ =	shalt  }
0x77: {  	_ =	shalt  }
0x78: {  	_ =	shalt  }
0x79: {  	_ =	shalt  }
0x7a: {  	_ =	shalt  }
0x7b: {  	_ =	shalt  }
0x7c: {  	_ =	shalt  }
0x7d: {  	_ =	shalt  }
0x7e: {  	_ =	shalt  }
0x7f: {  	_ =	shalt  }
0x80: {  	_ =	shalt  }
0x81: {  	_ =	shalt  }
0x82: {  	_ =	shalt  }
0x83: {  	_ =	shalt  }
0x84: {  	_ =	shalt  }
0x85: {  	_ =	shalt  }
0x86: {  	_ =	shalt  }
0x87: {  	_ =	shalt  }
.Lfunc_end0:
.L_simem_size_0:
called_computation.1_lowered:
.L_overlay_start_0:
0x88: {  	s2 =	sld [smem:$0x3FD9]  }
0x89: {  	s3 =	sld [smem:$0x3FFE];
	_ =	sdelay $0x1  }
0x8a: {  	s1 =	srdreg.scid  }
0x8b: {  	s0 =	sand.u32 $0x1, s1  }
0x8c: {  	s17 =	sshll.u32 s0, $0xA;
	s2 =	sadd.s32 s3, s2  }
0x8d: {  	s2 =	sadd.s32 s2, s17  }
0x8e: {  	[smem:$0x3FC4] =	sst s2  }
0x8f: {  	_ = 	snop  }
0x90: {  	s2 =	sld [smem:$0x3FD0];
	(tm) =	ssettm $0x1  }
0x91: {  	s18 =	sld [smem:$0x3FFB];
	_ =	sdelay $0x3  }
0x92: {  	_ =	strace s18  }
0x93: {  	s3 =	sld [smem:$0x3FFC];
	_ =	sdelay $0x3  }
0x94: {  	_ =	strace s3  }
0x95: {  	s3 =	sld [smem:$0x3FFD];
	_ =	sdelay $0x3  }
0x96: {  	_ =	strace s3  }
0x97: {  	_ =	strace $0x8FFFFFFF  }
0x98: {  	s19 =	sld [smem:$0x3FDB];
	_ =	sdelay $0x1  }
0x99: {  	s4 =	simm.s32 $_scs_section_size  }
0x9a: {  	s5 =	simm.s32 $_size__tile_overlayer_lowered;
	s6 =	simm.s32 $_tile_overlayer_lowered  }
0x9b: {  	s22 =	simm.s32 $0x1BFF;
	s21 =	sshll.u32 s6, $0x1;
	s3 =	sadd.s32 s4, s19  }
0x9c: {  	s7 =	simm.s32 $0x0;
	s20 =	sshll.u32 s5, $0x1;
	s5 =	sadd.s32 s21, s3  }
0x9d: {  	[timem:s7], [sflag:s22] =	dma.local [hbm:s5], s20  }
0x9e: {  	_ =	swait.ge [sflag:s22], s20  }
0x9f: {  	s4 =	ssub.s32 $0x0, s20;
	[sflag:s22] =	ssyncset.done $0x0  }
0xa0: {  	[sflag:s22] =	ssyncadd.s32 s4;
	_ =	sdelay $0x1  }
0xa1: {  	s23 =	simm.s32 $0x1B8B  }
0xa2: {  	_ =	swait.ge [sflag:s23], $0x1  }
0xa3: {  	[sflag:s23] =	ssyncset.done $0x0  }
0xa4: {  	s25 =	simm.s32 $0x1B8E;
	s24 =	sld [smem:$0x3FFE];
	[sflag:s23] =	ssyncadd.s32 $0xFFFFFFFF  }
0xa5: {  	s26 =	simm.s32 $execute0_lowered;
	[smem:$0x3FD2] =	sst s25  }
0xa6: {  	s5 =	sshll.u32 s26, $0x1;
	_ =	strace $0x80000049;
	[dreg:$0x1] =	wrdreg $0xFFFFFFFF  }
0xa7: {  	s28 =	simm.s32 $_size_execute0_lowered;
	s3 =	sadd.s32 s3, s5;
	[dreg:$0x0] =	wrdreg $0x0  }
0xa8: {  	s5 =	sshll.u32 s28, $0x1;
	[dreg:$0x2] =	wrdreg s3  }
0xa9: {  	[dreg:$0x3] =	wrdreg s5  }
0xaa: {  	[dreg:$0x4] =	wrdreg $0xC0  }
0xab: {  	_ =	task [dreg:s7], $0x5FFFF  }
0xac: {  	[dreg:$0x1] =	wrdreg $0xFFFFFFFF  }
0xad: {  	[dreg:$0x0] =	wrdreg $0x60  }
0xae: {  	[dreg:$0x2] =	wrdreg s24  }
0xaf: {  	[dreg:$0x3] =	wrdreg s2  }
0xb0: {  	[dreg:$0x4] =	wrdreg $0x154000  }
0xb1: {  	[dreg:$0x5] =	wrdreg $0x9  }
0xb2: {  	_ =	task.clear_ibuf [dreg:s7], $0x6FFFF;
	_ =	strace $0x90000049  }
0xb3: {  	s29 =	simm.s32 $0x9;
	_ =	strace $0x8000004B  }
0xb4: {  	_ =	swait.ge [sflag:s29], $0x1  }
0xb5: {  	[sflag:s29] =	ssyncadd.s32 $0xFFFFFFFF  }
0xb6: {  	_ =	strace $0x9000004B  }
0xb7: {  	_ =	sfence  }
0xb8: {  	s30 =	sld [smem:$0x0];
	_ =	sdelay $0x2  }
0xb9: {  	s31 =	sshll.u32 s1, $0xD;
	s1 =	sshrl.u32 s1, $0x2  }
0xba: {  	s3 =	sand.u32 $0x4000, s31;
	s1 =	sadd.s32 s1, s30  }
0xbb: {  	s0 =	sor.u32 s3, s0;
	s1 =	sshll.u32 s1, $0x11  }
0xbc: {  	s0 =	sor.u32 s1, s0  }
0xbd: {  	s0 =	sadd.s32 $0x8F2B, s0  }
0xbe: {  	[sflag:s0] =	ssyncadd.remote.s32 $0x1  }
0xbf: {  	_ =	sfence.sel $0xFFFF  }
0xc0: {  	[dreg:$0x0] =	wrdreg $0xFFFFFFFF;
	(pc) =	sbr.abs _section_cstart, $3  }
0xc1: {  	[dreg:$0x1] =	wrdreg $0xFFFFFFFF  }
0xc2: {  	_ =	task.clear_ibuf [dreg:s7], $0x2FFFF;
	_ =	strace $0x9FFFFFFF  }
0xc3: {  	(tm) =	ssettm $0x7FFFFFFF  }
tec
execute0_lowered:
.L_overlay_start_1:
0x0: {  	(tag) =	ssettag $0x1  }
0x1: {  	s0 =	rddreg [dreg:$0x0]  }
0x2: {  	s1 =	rddreg [dreg:$0x1]  }
0x3: {  	s2 =	rddreg [dreg:$0x2];
	s10 =	stileid.u32;
	s4 =	simm.s32 $0x0  }
0x4: {  	s22 =	srdreg.scid;
	s16 =	simm.s32 $0x5400;
	s17 =	simm.s32 $0x80  }
0x5: {  	s15 =	simm.s32 $0xB;
	s18 =	simm.s32 $0xC;
	s19 =	simm.s32 $0xD  }
0x6: {  	s20 =	simm.s32 $0xE;
	s21 =	simm.s32 $0xF;
	s3 =	smul.u32 $0x540, s10  }
0x7: {  	[smem:$0x7FF] =	sst s4;
	s7 =	sand.u32 $0x1, s22;
	s8 =	smul.u32 $0x28000, s10  }
0x8: {  	s4 =	sadd.s32 $0x16C00, s0;
	s11 =	sadd.s32 $0x2AC00, s0;
	s12 =	smul.u32 $0x14000, s10  }
0x9: {  	s13 =	sadd.s32 $0x3EC00, s0;
	s22 =	simm.s32 $0x10;
	_ =	strace $0x8000004A  }
0xa: {  	s6 =	ssub.s32 $0x2, s7;
	p0 =	seq.s32 s7, $0x0;
	s5 =	sadd.s32 s3, s0  }
0xb: {  	s9 =	sshrl.u32 s6, $0x1;
	s23 =	sshrl.u32 s8, $0x2;
	s24 =	sshrl.u32 s12, $0x1  }
0xc: {  	s0 =	sadd.s32 $0x11800, s0;
	s31 =	sshrl.u32 s12, $0x4;
	s13 =	smov.u32 @p0 s11  }
0xd: {  	s4 =	smov.u32 @p0 s1;
	s1 =	simm.s32 $0xA;
	s14 =	ssub.s32 s6, s9  }
0xe: {  	s5 =	sadd.s32 $0xC400, s5;
	s25 =	sadd.s32 s23, s2;
	s6 =	sadd.s32 s24, s2  }
0xf: {  	s12 =	sadd.s32 s13, s31;
	[dreg:$0x4] =	wrdreg s5;
	s26 =	sadd.s32 $0x2000, s25  }
0x10: {  	s13 =	simm.s32 $0x11;
	s28 =	sadd.s32 $0x4000, s25;
	[dreg:$0x5] =	wrdreg s26  }
0x11: {  	s23 =	simm.s32 $0x0;
	s29 =	sadd.s32 $0x6000, s25;
	[dreg:$0x6] =	wrdreg s28  }
0x12: {  	s30 =	sadd.s32 $0x8000, s25;
	s11 =	smax.u32 s14, $0x1;
	[dreg:$0x7] =	wrdreg s29  }
0x13: {  	v0 =	vimm.bf16 $0.0e+00;
	s14 =	sadd.s32 s3, s0;
	s0 =	simm.s32 $0x9;
	[dreg:$0x8] =	wrdreg s30  }
.LBB2_1:
0x14: {  	s3 =	simm.s32 $0x0;
	s5 =	rddreg [dreg:$0x4]  }
0x15: {  	[tilespmem:s3], [sflag:$0x11] =	stream.linear.gather [hbm4b:s5+s3], $0x2A00, $0x38;
	[tilespmem:$0x1F400] =	vst v63  }
0x16: {  	_ =	swait.ge [sflag:s13], $0x2A00  }
0x17: {  	[sflag:s13] =	ssyncset.done $0x0  }
0x18: {  	s31 =	simm.s32 $0x2A00;
	[sflag:s13] =	ssyncadd.s32 $0xFFFFD600  }
0x19: {  	[tilespmem:s31], [sflag:$0x11] =	stream.linear.gather [hbm4b:s14+s3], $0x2A00, $0x38;
	[tilespmem:$0x1F400] =	vst v63  }
0x1a: {  	_ =	swait.ge [sflag:s13], $0x2A00  }
0x1b: {  	[sflag:s13] =	ssyncset.done $0x0  }
0x1c: {  	s5 =	simm.s32 $0x100;
	s3 =	simm.s32 $0x0;
	[sflag:s13] =	ssyncadd.s32 $0xFFFFD600  }
.LBB2_2:
0x1d: {  	p0 =	sne.s32 s5, $0x7F00;
	[tilespmem:s3+$0x5430] =	vst v0;
	s7 =	smov.u32 s5;
	s5 =	sadd.s32 $0x100, s5  }
.Ltmp0:
0x1e: {  	[tilespmem:s3+$0x5420] =	vst v0;
	(pc) =	sbr.rel @p0 .LBB2_2-.Ltmp0, $3  }
0x1f: {  	[tilespmem:s3+$0x5400] =	vst v0  }
0x20: {  	[tilespmem:s3+$0x5410] =	vst v0;
	_ =	sdelay $0x1  }
0x21: {  	s3 =	sshra.s32 s7, $0x2  }
0x22: {  	[tilespmem:s3+$0x5430] =	vst v0  }
0x23: {  	[tilespmem:s3+$0x5420] =	vst v0  }
0x24: {  	[tilespmem:s3+$0x5400] =	vst v0  }
0x25: {  	[tilespmem:s3+$0x5410] =	vst v0  }
0x26: {  	[spmem:s6] =	stream.linear.scatter [tilespmem:s16], [sflag:$0x11], $0x2000, $0x38;
	[tilespmem:$0x1F400] =	vst v63  }
0x27: {  	_ =	swait.ge [sflag:s13], $0x2000  }
0x28: {  	[sflag:s13] =	ssyncset.done $0x0  }
0x29: {  	s7 =	rddreg [dreg:$0x5];
	[sflag:s13] =	ssyncadd.s32 $0xFFFFE000  }
0x2a: {  	[spmem:s7] =	stream.linear.scatter [tilespmem:s16], [sflag:$0x11], $0x2000, $0x38;
	[tilespmem:$0x1F400] =	vst v63  }
0x2b: {  	_ =	swait.ge [sflag:s13], $0x2000  }
0x2c: {  	[sflag:s13] =	ssyncset.done $0x0  }
0x2d: {  	s8 =	rddreg [dreg:$0x6];
	[sflag:s13] =	ssyncadd.s32 $0xFFFFE000  }
0x2e: {  	[spmem:s8] =	stream.linear.scatter [tilespmem:s16], [sflag:$0x11], $0x2000, $0x38;
	[tilespmem:$0x1F400] =	vst v63  }
0x2f: {  	_ =	swait.ge [sflag:s13], $0x2000  }
0x30: {  	[sflag:s13] =	ssyncset.done $0x0  }
0x31: {  	s9 =	rddreg [dreg:$0x7];
	[sflag:s13] =	ssyncadd.s32 $0xFFFFE000  }
0x32: {  	[spmem:s9] =	stream.linear.scatter [tilespmem:s16], [sflag:$0x11], $0x2000, $0x38;
	[tilespmem:$0x1F400] =	vst v63  }
0x33: {  	_ =	swait.ge [sflag:s13], $0x2000  }
0x34: {  	[sflag:s13] =	ssyncset.done $0x0  }
0x35: {  	s10 =	rddreg [dreg:$0x8];
	[sflag:s13] =	ssyncadd.s32 $0xFFFFE000  }
0x36: {  	[spmem:s10] =	stream.linear.scatter [tilespmem:s16], [sflag:$0x11], $0x2000, $0x38;
	[tilespmem:$0x1F400] =	vst v63  }
0x37: {  	_ =	swait.ge [sflag:s13], $0x2000  }
0x38: {  	[sflag:s13] =	ssyncset.done $0x0  }
0x39: {  	[sflag:s13] =	ssyncadd.s32 $0xFFFFE000  }
0x3a: {  	s3 =	simm.s32 $0x0;
	[bflag:$0x0] =	sbarrier.arrive $0xFFFF  }
0x3b: {  	[tilespmem:s16], [sflag:$0x1] =	stream.indirect.gather [hbm4b:s4+s17], $0x40, s3, s17, $0xb8;
	[tilespmem:$0x1F400] =	vst v63  }
0x3c: {  	s5 =	simm.s32 $0x7400  }
0x3d: {  	[tilespmem:s5], [sflag:$0x2] =	stream.indirect.gather [hbm4b:s4+s17], $0x40, s17, s17, $0xb8;
	[tilespmem:$0x1F400] =	vst v63  }
0x3e: {  	s24 =	simm.s32 $0x100;
	s7 =	simm.s32 $0x9400  }
0x3f: {  	[tilespmem:s7], [sflag:$0x3] =	stream.indirect.gather [hbm4b:s4+s17], $0x40, s24, s17, $0xb8;
	[tilespmem:$0x1F400] =	vst v63  }
0x40: {  	s25 =	simm.s32 $0x180;
	s26 =	simm.s32 $0xB400  }
0x41: {  	[tilespmem:s26], [sflag:$0x4] =	stream.indirect.gather [hbm4b:s4+s17], $0x40, s25, s17, $0xb8;
	[tilespmem:$0x1F400] =	vst v63  }
0x42: {  	s8 =	simm.s32 $0x200;
	s9 =	simm.s32 $0xD400  }
0x43: {  	[tilespmem:s9], [sflag:$0x5] =	stream.indirect.gather [hbm4b:s4+s17], $0x40, s8, s17, $0xb8;
	[tilespmem:$0x1F400] =	vst v63  }
0x44: {  	p0 =	por $0x0, $0x0;
	s10 =	simm.s32 $0x280;
	s24 =	simm.s32 $0xF400  }
0x45: {  	[tilespmem:s24], [sflag:$0x6] =	stream.indirect.gather [hbm4b:s4+s17], $0x40, s10, s17, $0xb8;
	[tilespmem:$0x1F400] =	vst v63  }
0x46: {  	s3 =	sand.u32 $0x7, s3;
	s25 =	simm.s32 $0x300;
	s26 =	simm.s32 $0x11400  }
0x47: {  	[tilespmem:s26], [sflag:$0x7] =	stream.indirect.gather [hbm4b:s4+s17], $0x40, s25, s17, $0xb8;
	[tilespmem:$0x1F400] =	vst v63  }
0x48: {  	s7 =	simm.s32 $0x380;
	s8 =	simm.s32 $0x13400;
	s26 =	sadd.s32 $0x1, s3  }
0x49: {  	[tilespmem:s8], [sflag:$0x8] =	stream.indirect.gather [hbm4b:s4+s17], $0x40, s7, s17, $0xb8;
	[tilespmem:$0x1F400] =	vst v63  }
0x4a: {  	s30 =	simm.s32 $0x2;
	s28 =	sadd.s32 $0x9, s3;
	_ =	swait.ge [sflag:s26], $0x2000  }
0x4b: {  	s9 =	simm.s32 $0x2A00;
	s10 =	sshll.u32 s3, $0xD;
	[sflag:s26] =	ssyncset.done $0x0  }
0x4c: {  	s5 =	sadd.s32 $0x5400, s10;
	s25 =	simm.s32 $0x1;
	[sflag:s26] =	ssyncadd.s32 $0xFFFFE000  }
0x4d: {  	[spmem:s2] =	stream.indirect.scatter.add.bf16 [tilespmem:s5], [sflag:s28], $0x40, s9, s17, $0xb8;
	[tilespmem:$0x1F400] =	vst v63  }
0x4e: {  	s29 =	simm.s32 $0x2A80;
	s31 =	sand.u32 $0x7, s25;
	_ =	swait.ge @!p0 [sflag:s28], $0x2000  }
0x4f: {  	s24 =	simm.s32 $0x400;
	s3 =	sshll.u32 s31, $0xD;
	[sflag:s28] =	ssyncset.done @!p0 $0x0  }
0x50: {  	s7 =	simm.s32 @!p0 $0x80;
	[sflag:s28] =	ssyncadd.s32 @!p0 $0xFFFFE000;
	s28 =	simm.s32 $0x480  }
.LBB2_4:
0x51: {  	[tilespmem:s5], [sflag:s26] =	stream.indirect.gather @!p0 [hbm4b:s4+s7], $0x40, s24, s7, $0xb8;
	[tilespmem:$0x1F400] =	vst v63  }
0x52: {  	s7 =	smov.u32 s30;
	s24 =	smov.u32 s28  }
0x53: {  	s30 =	sadd.s32 $0x1, s30;
	s26 =	sadd.s32 $0x1, s31;
	s8 =	sand.u32 $0x7, s7  }
0x54: {  	p1 =	sne.s32 s30, $0x54;
	s9 =	sshll.u32 s8, $0xD;
	_ =	swait.ge [sflag:s26], $0x2000  }
0x55: {  	s10 =	sadd.s32 $0x9, s31;
	p0 =	sgt.u32 s25, $0x4B;
	[sflag:s26] =	ssyncset.done $0x0  }
.Ltmp1:
0x56: {  	s5 =	sadd.s32 $0x5400, s3;
	[sflag:s26] =	ssyncadd.s32 $0xFFFFE000;
	(pc) =	sbr.rel @p1 .LBB2_4-.Ltmp1, $4  }
0x57: {  	[spmem:s2] =	stream.indirect.scatter.add.bf16 [tilespmem:s5], [sflag:s10], $0x40, s29, s17, $0xb8;
	[tilespmem:$0x1F400] =	vst v63  }
0x58: {  	s25 =	smov.u32 s7;
	s31 =	smov.u32 s8;
	_ =	swait.ge @!p0 [sflag:s10], $0x2000  }
0x59: {  	s3 =	smov.u32 s9;
	s29 =	sadd.s32 $0x80, s29;
	[sflag:s10] =	ssyncset.done @!p0 $0x0  }
0x5a: {  	s28 =	sadd.s32 $0x80, s28;
	s7 =	simm.s32 @!p0 $0x80;
	[sflag:s10] =	ssyncadd.s32 @!p0 $0xFFFFE000  }
0x5b: {  	[tilespmem:s5], [sflag:s26] =	stream.indirect.gather @!p0 [hbm4b:s4+s7], $0x40, s24, s7, $0xb8;
	[tilespmem:$0x1F400] =	vst v63  }
0x5c: {  	s5 =	sadd.s32 $0x1, s31  }
0x5d: {  	_ =	swait.ge [sflag:s5], $0x2000  }
0x5e: {  	s7 =	sadd.s32 $0x9, s31;
	[sflag:s5] =	ssyncset.done $0x0  }
0x5f: {  	p0 =	sgt.u32 s25, $0x4B;
	s3 =	sadd.s32 $0x5400, s3;
	[sflag:s5] =	ssyncadd.s32 $0xFFFFE000  }
0x60: {  	[spmem:s2] =	stream.indirect.scatter.add.bf16 [tilespmem:s3], [sflag:s7], $0x40, s29, s17, $0xb8;
	[tilespmem:$0x1F400] =	vst v63  }
0x61: {  	_ =	swait.ge @!p0 [sflag:s7], $0x2000  }
0x62: {  	[sflag:s7] =	ssyncset.done @!p0 $0x0  }
0x63: {  	[sflag:s7] =	ssyncadd.s32 @!p0 $0xFFFFE000;
	s7 =	simm.s32 @!p0 $0x80  }
0x64: {  	[tilespmem:s3], [sflag:s5] =	stream.indirect.gather @!p0 [hbm4b:s4+s7], $0x40, s28, s7, $0xb8;
	[tilespmem:$0x1F400] =	vst v63  }
0x65: {  	_ =	swait.ge [sflag:s0], $0x2000  }
0x66: {  	[sflag:s0] =	ssyncset.done $0x0  }
0x67: {  	[sflag:s0] =	ssyncadd.s32 $0xFFFFE000  }
0x68: {  	_ =	swait.ge [sflag:s1], $0x2000  }
0x69: {  	[sflag:s1] =	ssyncset.done $0x0  }
0x6a: {  	[sflag:s1] =	ssyncadd.s32 $0xFFFFE000  }
0x6b: {  	_ =	swait.ge [sflag:s15], $0x2000  }
0x6c: {  	[sflag:s15] =	ssyncset.done $0x0  }
0x6d: {  	[sflag:s15] =	ssyncadd.s32 $0xFFFFE000  }
0x6e: {  	_ =	swait.ge [sflag:s18], $0x2000  }
0x6f: {  	[sflag:s18] =	ssyncset.done $0x0  }
0x70: {  	[sflag:s18] =	ssyncadd.s32 $0xFFFFE000  }
0x71: {  	_ =	swait.ge [sflag:s19], $0x2000  }
0x72: {  	[sflag:s19] =	ssyncset.done $0x0  }
0x73: {  	[sflag:s19] =	ssyncadd.s32 $0xFFFFE000  }
0x74: {  	_ =	swait.ge [sflag:s20], $0x2000  }
0x75: {  	[sflag:s20] =	ssyncset.done $0x0  }
0x76: {  	[sflag:s20] =	ssyncadd.s32 $0xFFFFE000  }
0x77: {  	_ =	swait.ge [sflag:s21], $0x2000  }
0x78: {  	[sflag:s21] =	ssyncset.done $0x0  }
0x79: {  	[sflag:s21] =	ssyncadd.s32 $0xFFFFE000  }
0x7a: {  	s30 =	stileid.u32;
	_ =	swait.ge [sflag:s22], $0x2000  }
0x7b: {  	s31 =	sshrl.u32 s6, $0x3;
	s23 =	sadd.s32 $0x1, s23;
	[sflag:s22] =	ssyncset.done $0x0  }
0x7c: {  	s3 =	sshll.u32 s30, $0x6;
	p0 =	sne.s32 s23, s11;
	[sflag:s22] =	ssyncadd.s32 $0xFFFFE000  }
.Ltmp2:
0x7d: {  	s3 =	sor.u32 $0x1C11, s3;
	[bflag:$0x0] =	sbarrier.arrive $0xFFFF;
	(pc) =	sbr.rel @p0 .LBB2_1-.Ltmp2, $4  }
0x7e: {  	[hbm:s12], [sflag:s3] =	dma.local [spmem:s31], $0x1400  }
0x7f: {  	_ =	swait.ge [sflag:s13], $0x1400  }
0x80: {  	[sflag:s13] =	ssyncset.done $0x0  }
0x81: {  	[sflag:s13] =	ssyncadd.s32 $0xFFFFEC00  }
0x82: {  	_ =	sfence.sel $0x180000  }
0x83: {  	[bflag:$0x0] =	sbarrier.arrive $0xFFFF  }
0x84: {  	_ =	strace $0x9000004A  }
0x85: {  	s0 =	stileid.u32;
	[bflag:$0x2] =	sbarrier.arrive $0xFFFF  }
0x86: {  	p0 =	sne.s32 s0, $0x0;
	s0 =	rddreg [dreg:$0x3]  }
0x87: {  	s0 =	sadd.s32 @!p0 $0x100000, s0  }
0x88: {  	[sflag:s0] =	ssyncadd.tile.s32 @!p0 $0x1;
	_ =	shalt  }
.Lfunc_end2:
_tile_overlayer_lowered:
.L_overlay_start_2:
0x89: {  	(tag) =	ssettag $0x2  }
0x8a: {  	s0 =	rddreg [dreg:$0x0];
	s2 =	stileid.u32  }
0x8b: {  	s1 =	rddreg [dreg:$0x1];
	p0 =	sne.s32 s2, $0x0  }
0x8c: {  	s3 =	rddreg [dreg:$0x2];
	[bflag:$0x3] =	sbarrier.arrive $0xFFFF;
	s2 =	simm.s32 @!p0 $0x1C11  }
0x8d: {  	[timem:s3], [sflag:s2] =	dma.local @!p0 [hbm:s0], s1  }
0x8e: {  	s0 =	simm.s32 @!p0 $0x11  }
0x8f: {  	_ =	swait.ge @!p0 [sflag:s0], s1  }
0x90: {  	s1 =	ssub.s32 @!p0 $0x0, s1;
	[sflag:s0] =	ssyncset.done @!p0 $0x0  }
0x91: {  	[sflag:s0] =	ssyncadd.s32 @!p0 s1  }
0x92: {  	[bflag:$0x3] =	sbarrier.arrive $0xFFFF  }
0x93: {  	_ =	shalt  }

</sc_bundles>
